<compile_context>
chip_gen: v7x
topology: tpu7x:2x2x1
jax: 0.10.2.dev20260603
libtpu: 0.0.44.dev20260713+nightly
codegen_flags: <defaults>
</compile_context>

<pallas_src>
import functools

import jax
import jax.numpy as jnp
from jax import lax
from jax.experimental import pallas as pl
from jax.experimental.pallas import tpu as pltpu
from jax.experimental.pallas import tpu_sc as plsc

_L = 16


@functools.partial(jax.jit, static_argnums=(4, 5))
def _edge_vals(table, row_i, col_i, ninv, chunk, nw):
    e_total = row_i.shape[0]
    _, d_feat = table.shape
    per_w = e_total // nw
    n_chunks = per_w // chunk
    cpad = ((chunk + _L - 1) // _L) * _L
    mesh = plsc.VectorSubcoreMesh(core_axis_name="c", subcore_axis_name="s")

    @functools.partial(
        pl.kernel,
        out_type=jax.ShapeDtypeStruct((e_total,), jnp.float32),
        mesh=mesh,
        scratch_types=[
            pltpu.VMEM((cpad,), jnp.int32),
            pltpu.VMEM((cpad,), jnp.int32),
            pltpu.VMEM((cpad,), jnp.int32),
            pltpu.VMEM((cpad,), jnp.int32),
            pltpu.VMEM((cpad, d_feat), jnp.float32),
            pltpu.VMEM((cpad, d_feat), jnp.float32),
            pltpu.VMEM((cpad, d_feat), jnp.float32),
            pltpu.VMEM((cpad, d_feat), jnp.float32),
            pltpu.VMEM((cpad,), jnp.float32),
            pltpu.VMEM((_L,), jnp.float32),
            pltpu.SemaphoreType.DMA,
            pltpu.SemaphoreType.DMA,
            pltpu.SemaphoreType.DMA,
            pltpu.SemaphoreType.DMA,
        ],
        compiler_params=pltpu.CompilerParams(needs_layout_passes=False),
    )
    def k(table_h, row_h, col_h, ninv_h, out_h,
          idx_ra, idx_ca, idx_rb, idx_cb,
          rows_ra, rows_ca, rows_rb, rows_cb, vbuf, ninv_v,
          sem_ra, sem_ca, sem_rb, sem_cb):
        wid = lax.axis_index("s") * mesh.num_cores + lax.axis_index("c")
        pltpu.sync_copy(ninv_h, ninv_v)
        ninv_vec = ninv_v[...]
        base_w = wid * per_w
        lane = lax.iota(jnp.int32, _L)
        lane_last = lane == (_L - 1)
        zeros_i = jnp.zeros((_L,), jnp.int32)

        for ib in (idx_ra, idx_ca, idx_rb, idx_cb):
            ib[pl.ds(cpad - _L, _L)] = zeros_i

        def stage(ci, idx_r, idx_c, rows_r, rows_c, sem_r, sem_c):
            base = base_w + ci * chunk
            pltpu.sync_copy(row_h.at[pl.ds(base, chunk)],
                            idx_r.at[pl.ds(0, chunk)])
            pltpu.sync_copy(col_h.at[pl.ds(base, chunk)],
                            idx_c.at[pl.ds(0, chunk)])
            pltpu.async_copy(table_h.at[idx_r], rows_r, sem_r)
            pltpu.async_copy(table_h.at[idx_c], rows_c, sem_c)

        def wait_gather(idx_r, idx_c, rows_r, rows_c, sem_r, sem_c):
            pltpu.make_async_copy(table_h.at[idx_r], rows_r, sem_r).wait()
            pltpu.make_async_copy(table_h.at[idx_c], rows_c, sem_c).wait()

        def compute(ci, rows_r, rows_c):
            @plsc.parallel_loop(0, chunk, unroll=4)
            def edge_body(e):
                acc = jnp.zeros((_L,), jnp.float32)
                for dk in range(d_feat // _L):
                    a = rows_r[e, pl.ds(dk * _L, _L)]
                    b = rows_c[e, pl.ds(dk * _L, _L)]
                    dd = a - b
                    acc = acc + dd * dd
                tot = plsc.cumsum(acc)
                plsc.store_scatter(vbuf, [jnp.full((_L,), e, jnp.int32)],
                                   tot, mask=lane_last)

            @plsc.parallel_loop(0, cpad // _L, unroll=4)
            def exp_body(g):
                v = vbuf[pl.ds(g * _L, _L)]
                vbuf[pl.ds(g * _L, _L)] = jnp.exp(v * ninv_vec)
            pltpu.sync_copy(vbuf.at[pl.ds(0, chunk)],
                            out_h.at[pl.ds(base_w + ci * chunk, chunk)])

        set_a = (idx_ra, idx_ca, rows_ra, rows_ca, sem_ra, sem_ca)
        set_b = (idx_rb, idx_cb, rows_rb, rows_cb, sem_rb, sem_cb)

        stage(0, *set_a)

        def body2(i, _):
            c0 = 2 * i
            stage(c0 + 1, *set_b)
            wait_gather(*set_a)
            compute(c0, rows_ra, rows_ca)
            stage(jnp.minimum(c0 + 2, n_chunks - 1), *set_a)
            wait_gather(*set_b)
            compute(c0 + 1, rows_rb, rows_cb)
            return 0

        lax.fori_loop(0, n_chunks // 2, body2, 0)
        wait_gather(*set_a)
        if n_chunks % 2 == 1:
            compute(n_chunks - 1, rows_ra, rows_ca)

    return k(table, row_i, col_i, ninv)


def kernel(inputs, row, col, sigma):
    e_total = row.shape[0]
    nw = 32
    chunk = 200
    block = nw * chunk
    row_i = row.astype(jnp.int32)
    col_i = col.astype(jnp.int32)
    e_pad = ((e_total + block - 1) // block) * block
    if e_pad != e_total:
        row_i = jnp.pad(row_i, (0, e_pad - e_total), mode="edge")
        col_i = jnp.pad(col_i, (0, e_pad - e_total), mode="edge")
    ninv = jnp.full((_L,), -1.0 / (sigma * sigma), jnp.float32)
    vals = _edge_vals(inputs, row_i, col_i, ninv, chunk, nw)
    if e_pad != e_total:
        vals = vals[:e_total]
    return (row, col, vals)

# --- scband reference (transcript-rebuilt; emitter-appended) ---
"""Pipeline reference for scband-graph-conv-9028021256831 (READ-ONLY COPY).

The authoritative reference and input builder live on the scoring server;
editing this copy changes nothing except your own understanding.
"""

import jax, jax.numpy as jnp
import numpy as np

N_NODES = 10000
N_EDGES = 320000
D_FEAT = 128


def setup_inputs(seed: int = 0) -> dict:
    key = jax.random.key(seed)
    k1, k2, k3 = jax.random.split(key, 3)
    inputs = jax.random.normal(k1, (N_NODES, D_FEAT), dtype=jnp.float32)
    row = jnp.sort(jax.random.randint(k2, (N_EDGES,), 0, N_NODES, dtype=jnp.int64))
    col = jax.random.randint(k3, (N_EDGES,), 0, N_NODES, dtype=jnp.int64)
    sigma = jnp.asarray(1.0, dtype=jnp.float32)  # learned parameter self.sigma
    return {"inputs": inputs, "row": row, "col": col, "sigma": sigma}


def reference(inputs, row, col, sigma):
    # pw_diff = inputs[row] - inputs[col]  (edge-wise gather of node features)
    pw_diff = jnp.take(inputs, row, axis=0) - jnp.take(inputs, col, axis=0)
    # ||.||_2 ** 2 == sum of squares along feature dim
    d2 = jnp.sum(pw_diff * pw_diff, axis=1)
    # gaussian kernel edge weights; these are the values of the returned SparseTensor
    vals = jnp.exp(-d2 / (sigma ** 2))
    # return the (row, col, value) triple representing the output SparseTensor
    return (row, col, vals)

if __name__ == "__main__":
    import jax
    _d = setup_inputs()
    print(jax.jit(kernel)(*tuple(_d.values())))

</pallas_src>

<mosaic_0001>
#map = affine_map<(d0, d1) -> (0, 0)>
#map1 = affine_map<(d0, d1) -> (0)>
module attributes {stable_mosaic.version = 14 : i64} {
  func.func @k(%arg0: i32, %arg1: i32, %arg2: memref<10000x128xf32, #tpu.memory_space<hbm>>, %arg3: memref<320000xi32, #tpu.memory_space<hbm>>, %arg4: memref<320000xi32, #tpu.memory_space<hbm>>, %arg5: memref<16xf32, #tpu.memory_space<hbm>>, %arg6: memref<320000xf32, #tpu.memory_space<hbm>>, %arg7: memref<208xi32, #tpu.memory_space<vmem>>, %arg8: memref<208xi32, #tpu.memory_space<vmem>>, %arg9: memref<208xi32, #tpu.memory_space<vmem>>, %arg10: memref<208xi32, #tpu.memory_space<vmem>>, %arg11: memref<208x128xf32, #tpu.memory_space<vmem>>, %arg12: memref<208x128xf32, #tpu.memory_space<vmem>>, %arg13: memref<208x128xf32, #tpu.memory_space<vmem>>, %arg14: memref<208x128xf32, #tpu.memory_space<vmem>>, %arg15: memref<208xf32, #tpu.memory_space<vmem>>, %arg16: memref<16xf32, #tpu.memory_space<vmem>>, %arg17: memref<!tpu.dma_semaphore, #tpu.memory_space<semaphore_mem>>, %arg18: memref<!tpu.dma_semaphore, #tpu.memory_space<semaphore_mem>>, %arg19: memref<!tpu.dma_semaphore, #tpu.memory_space<semaphore_mem>>, %arg20: memref<!tpu.dma_semaphore, #tpu.memory_space<semaphore_mem>>) attributes {dimension_semantics = [#tpu.dimension_semantics<core_parallel>, #tpu.dimension_semantics<subcore_parallel>], iteration_bounds = array<i64: 2, 16>, scalar_prefetch = 0 : i64, scratch_operands = 14 : i64, tpu.core_type = #tpu.core_type<sc_vector_subcore>, window_params = [{transform_indices = #map}, {transform_indices = #map1}, {transform_indices = #map1}, {transform_indices = #map1}, {transform_indices = #map1}]} {
    %mul3A = arith.constant 2 : i32
    %mul3A_0 = arith.muli %arg1, %mul3A : i32
    %add3A = arith.addi %mul3A_0, %arg0 : i32
    "tpu.region"() ({
      %run_scoped3A = tpu.sem_alloc : memref<!tpu.dma_semaphore, #tpu.memory_space<semaphore_mem>>
      tpu.enqueue_dma source(%arg5 : memref<16xf32, #tpu.memory_space<hbm>>) target(%arg16 : memref<16xf32, #tpu.memory_space<vmem>>) target_semaphore(%run_scoped3A : memref<!tpu.dma_semaphore, #tpu.memory_space<semaphore_mem>>)
      tpu.wait_dma2 semaphore(%run_scoped3A : memref<!tpu.dma_semaphore, #tpu.memory_space<semaphore_mem>>) src(%arg5 : memref<16xf32, #tpu.memory_space<hbm>>) dst(%arg16 : memref<16xf32, #tpu.memory_space<vmem>>)
      tpu.yield
    }) : () -> ()
    %get3A = arith.constant 0 : index
    %get3A_1 = tpu.vector_load %arg16[%get3A] {strides = array<i32>} : memref<16xf32, #tpu.memory_space<vmem>>, vector<16xf32>,
    %mul3A_2 = arith.constant 10000 : i32
    %mul3A_3 = arith.muli %add3A, %mul3A_2 : i32
    %iota3A = tpu.iota {dimensions = array<i32: 0>} : vector<16xi32>
    %eq3A = arith.constant 15 : i32
    %eq3A_4 = vector.broadcast %eq3A : i32 to vector<16xi32>
    %eq3A_5 = arith.cmpi eq, %iota3A, %eq3A_4 : vector<16xi32>
    %broadcast_in_dim3A = arith.constant 0 : i32
    %broadcast_in_dim3A_6 = vector.broadcast %broadcast_in_dim3A : i32 to vector<16xi32>
    %swap3A = arith.constant 192 : index
    %swap3A_7 = tpu.vector_load %arg7[%swap3A] {strides = array<i32>} : memref<208xi32, #tpu.memory_space<vmem>>, vector<16xi32>,
    tpu.vector_store %arg7[%swap3A], %broadcast_in_dim3A_6 {strides = array<i32>} : memref<208xi32, #tpu.memory_space<vmem>>, vector<16xi32>,
    %swap3A_8 = arith.constant 192 : index
    %swap3A_9 = tpu.vector_load %arg8[%swap3A_8] {strides = array<i32>} : memref<208xi32, #tpu.memory_space<vmem>>, vector<16xi32>,
    tpu.vector_store %arg8[%swap3A_8], %broadcast_in_dim3A_6 {strides = array<i32>} : memref<208xi32, #tpu.memory_space<vmem>>, vector<16xi32>,
    %swap3A_10 = arith.constant 192 : index
    %swap3A_11 = tpu.vector_load %arg9[%swap3A_10] {strides = array<i32>} : memref<208xi32, #tpu.memory_space<vmem>>, vector<16xi32>,
    tpu.vector_store %arg9[%swap3A_10], %broadcast_in_dim3A_6 {strides = array<i32>} : memref<208xi32, #tpu.memory_space<vmem>>, vector<16xi32>,
    %swap3A_12 = arith.constant 192 : index
    %swap3A_13 = tpu.vector_load %arg10[%swap3A_12] {strides = array<i32>} : memref<208xi32, #tpu.memory_space<vmem>>, vector<16xi32>,
    tpu.vector_store %arg10[%swap3A_12], %broadcast_in_dim3A_6 {strides = array<i32>} : memref<208xi32, #tpu.memory_space<vmem>>, vector<16xi32>,
    %add3A_14 = arith.constant 0 : i32
    %add3A_15 = arith.addi %mul3A_3, %add3A_14 : i32
    "tpu.region"() ({
      %run_scoped3A = tpu.sem_alloc : memref<!tpu.dma_semaphore, #tpu.memory_space<semaphore_mem>>
      %dma_start3A_32 = arith.constant 0 : i32
      %dma_start3A_33 = tpu.memref_slice %arg7[%dma_start3A_32] : memref<208xi32, #tpu.memory_space<vmem>> -> memref<200xi32, #tpu.memory_space<vmem>>
      %dma_start3A_34 = tpu.memref_slice %arg3[%add3A_15] : memref<320000xi32, #tpu.memory_space<hbm>> -> memref<200xi32, #tpu.memory_space<hbm>>
      %dma_start3A_35 = arith.constant 0 : i32
      %dma_start3A_36 = tpu.memref_slice %arg7[%dma_start3A_35] : memref<208xi32, #tpu.memory_space<vmem>> -> memref<200xi32, #tpu.memory_space<vmem>>
      %dma_start3A_37 = tpu.memref_slice %arg3[%add3A_15] : memref<320000xi32, #tpu.memory_space<hbm>> -> memref<200xi32, #tpu.memory_space<hbm>>
      tpu.enqueue_dma source(%dma_start3A_37 : memref<200xi32, #tpu.memory_space<hbm>>) target(%dma_start3A_36 : memref<200xi32, #tpu.memory_space<vmem>>) target_semaphore(%run_scoped3A : memref<!tpu.dma_semaphore, #tpu.memory_space<semaphore_mem>>)
      %dma_wait3A_38 = arith.constant 0 : i32
      %dma_wait3A_39 = tpu.memref_slice %arg7[%dma_wait3A_38] : memref<208xi32, #tpu.memory_space<vmem>> -> memref<200xi32, #tpu.memory_space<vmem>>
      %dma_wait3A_40 = tpu.memref_slice %arg3[%add3A_15] : memref<320000xi32, #tpu.memory_space<hbm>> -> memref<200xi32, #tpu.memory_space<hbm>>
      %dma_wait3A_41 = arith.constant 0 : i32
      %dma_wait3A_42 = tpu.memref_slice %arg7[%dma_wait3A_41] : memref<208xi32, #tpu.memory_space<vmem>> -> memref<200xi32, #tpu.memory_space<vmem>>
      %dma_wait3A_43 = tpu.memref_slice %arg3[%add3A_15] : memref<320000xi32, #tpu.memory_space<hbm>> -> memref<200xi32, #tpu.memory_space<hbm>>
      tpu.wait_dma2 semaphore(%run_scoped3A : memref<!tpu.dma_semaphore, #tpu.memory_space<semaphore_mem>>) src(%dma_wait3A_43 : memref<200xi32, #tpu.memory_space<hbm>>) dst(%dma_wait3A_42 : memref<200xi32, #tpu.memory_space<vmem>>)
      tpu.yield
    }) : () -> ()
    "tpu.region"() ({
      %run_scoped3A = tpu.sem_alloc : memref<!tpu.dma_semaphore, #tpu.memory_space<semaphore_mem>>
      %dma_start3A_32 = arith.constant 0 : i32
      %dma_start3A_33 = tpu.memref_slice %arg8[%dma_start3A_32] : memref<208xi32, #tpu.memory_space<vmem>> -> memref<200xi32, #tpu.memory_space<vmem>>
      %dma_start3A_34 = tpu.memref_slice %arg4[%add3A_15] : memref<320000xi32, #tpu.memory_space<hbm>> -> memref<200xi32, #tpu.memory_space<hbm>>
      %dma_start3A_35 = arith.constant 0 : i32
      %dma_start3A_36 = tpu.memref_slice %arg8[%dma_start3A_35] : memref<208xi32, #tpu.memory_space<vmem>> -> memref<200xi32, #tpu.memory_space<vmem>>
      %dma_start3A_37 = tpu.memref_slice %arg4[%add3A_15] : memref<320000xi32, #tpu.memory_space<hbm>> -> memref<200xi32, #tpu.memory_space<hbm>>
      tpu.enqueue_dma source(%dma_start3A_37 : memref<200xi32, #tpu.memory_space<hbm>>) target(%dma_start3A_36 : memref<200xi32, #tpu.memory_space<vmem>>) target_semaphore(%run_scoped3A : memref<!tpu.dma_semaphore, #tpu.memory_space<semaphore_mem>>)
      %dma_wait3A_38 = arith.constant 0 : i32
      %dma_wait3A_39 = tpu.memref_slice %arg8[%dma_wait3A_38] : memref<208xi32, #tpu.memory_space<vmem>> -> memref<200xi32, #tpu.memory_space<vmem>>
      %dma_wait3A_40 = tpu.memref_slice %arg4[%add3A_15] : memref<320000xi32, #tpu.memory_space<hbm>> -> memref<200xi32, #tpu.memory_space<hbm>>
      %dma_wait3A_41 = arith.constant 0 : i32
      %dma_wait3A_42 = tpu.memref_slice %arg8[%dma_wait3A_41] : memref<208xi32, #tpu.memory_space<vmem>> -> memref<200xi32, #tpu.memory_space<vmem>>
      %dma_wait3A_43 = tpu.memref_slice %arg4[%add3A_15] : memref<320000xi32, #tpu.memory_space<hbm>> -> memref<200xi32, #tpu.memory_space<hbm>>
      tpu.wait_dma2 semaphore(%run_scoped3A : memref<!tpu.dma_semaphore, #tpu.memory_space<semaphore_mem>>) src(%dma_wait3A_43 : memref<200xi32, #tpu.memory_space<hbm>>) dst(%dma_wait3A_42 : memref<200xi32, #tpu.memory_space<vmem>>)
      tpu.yield
    }) : () -> ()
    %dma_start3A = arith.constant 0 : i32
    %dma_start3A_16 = arith.constant 0 : i32
    %dma_start3A_17 = tpu.memref_slice %arg2[%dma_start3A, %dma_start3A_16] : memref<10000x128xf32, #tpu.memory_space<hbm>> -> memref<10000x128xf32, #tpu.memory_space<hbm>>
    tpu.enqueue_indirect_dma source(%dma_start3A_17 : memref<10000x128xf32, #tpu.memory_space<hbm>>) target(%arg11 : memref<208x128xf32, #tpu.memory_space<vmem>>) offsets(%arg7 : memref<208xi32, #tpu.memory_space<vmem>>) semaphore(%arg17 : memref<!tpu.dma_semaphore, #tpu.memory_space<semaphore_mem>>)
    %dma_start3A_18 = arith.constant 0 : i32
    %dma_start3A_19 = arith.constant 0 : i32
    %dma_start3A_20 = tpu.memref_slice %arg2[%dma_start3A_18, %dma_start3A_19] : memref<10000x128xf32, #tpu.memory_space<hbm>> -> memref<10000x128xf32, #tpu.memory_space<hbm>>
    tpu.enqueue_indirect_dma source(%dma_start3A_20 : memref<10000x128xf32, #tpu.memory_space<hbm>>) target(%arg12 : memref<208x128xf32, #tpu.memory_space<vmem>>) offsets(%arg8 : memref<208xi32, #tpu.memory_space<vmem>>) semaphore(%arg18 : memref<!tpu.dma_semaphore, #tpu.memory_space<semaphore_mem>>)
    %scan3A = arith.constant 0 : i32
    %scan3A_21 = arith.constant 0 : i32
    %scan3A_22 = arith.constant 25 : i32
    %scan3A_23 = arith.addi %scan3A_21, %scan3A_22 : i32
    %scan3A_24 = arith.constant 1 : i32
    %scan3A_25 = scf.for %scan3A_32 = %scan3A_21 to %scan3A_23 step %scan3A_24 iter_args(%scan3A_33 = %scan3A) -> (i32)  : i32 {
      %mul3A_34 = arith.constant 2 : i32
      %mul3A_35 = arith.muli %mul3A_34, %scan3A_32 : i32
      %add3A_36 = arith.constant 1 : i32
      %add3A_37 = arith.addi %mul3A_35, %add3A_36 : i32
      %mul3A_38 = arith.constant 200 : i32
      %mul3A_39 = arith.muli %add3A_37, %mul3A_38 : i32
      %add3A_40 = arith.addi %mul3A_3, %mul3A_39 : i32
      "tpu.region"() ({
        %run_scoped3A = tpu.sem_alloc : memref<!tpu.dma_semaphore, #tpu.memory_space<semaphore_mem>>
        %dma_start3A_91 = arith.constant 0 : i32
        %dma_start3A_92 = tpu.memref_slice %arg9[%dma_start3A_91] : memref<208xi32, #tpu.memory_space<vmem>> -> memref<200xi32, #tpu.memory_space<vmem>>
        %dma_start3A_93 = tpu.memref_slice %arg3[%add3A_40] : memref<320000xi32, #tpu.memory_space<hbm>> -> memref<200xi32, #tpu.memory_space<hbm>>
        %dma_start3A_94 = arith.constant 0 : i32
        %dma_start3A_95 = tpu.memref_slice %arg9[%dma_start3A_94] : memref<208xi32, #tpu.memory_space<vmem>> -> memref<200xi32, #tpu.memory_space<vmem>>
        %dma_start3A_96 = tpu.memref_slice %arg3[%add3A_40] : memref<320000xi32, #tpu.memory_space<hbm>> -> memref<200xi32, #tpu.memory_space<hbm>>
        tpu.enqueue_dma source(%dma_start3A_96 : memref<200xi32, #tpu.memory_space<hbm>>) target(%dma_start3A_95 : memref<200xi32, #tpu.memory_space<vmem>>) target_semaphore(%run_scoped3A : memref<!tpu.dma_semaphore, #tpu.memory_space<semaphore_mem>>)
        %dma_wait3A_97 = arith.constant 0 : i32
        %dma_wait3A_98 = tpu.memref_slice %arg9[%dma_wait3A_97] : memref<208xi32, #tpu.memory_space<vmem>> -> memref<200xi32, #tpu.memory_space<vmem>>
        %dma_wait3A_99 = tpu.memref_slice %arg3[%add3A_40] : memref<320000xi32, #tpu.memory_space<hbm>> -> memref<200xi32, #tpu.memory_space<hbm>>
        %dma_wait3A_100 = arith.constant 0 : i32
        %dma_wait3A_101 = tpu.memref_slice %arg9[%dma_wait3A_100] : memref<208xi32, #tpu.memory_space<vmem>> -> memref<200xi32, #tpu.memory_space<vmem>>
        %dma_wait3A_102 = tpu.memref_slice %arg3[%add3A_40] : memref<320000xi32, #tpu.memory_space<hbm>> -> memref<200xi32, #tpu.memory_space<hbm>>
        tpu.wait_dma2 semaphore(%run_scoped3A : memref<!tpu.dma_semaphore, #tpu.memory_space<semaphore_mem>>) src(%dma_wait3A_102 : memref<200xi32, #tpu.memory_space<hbm>>) dst(%dma_wait3A_101 : memref<200xi32, #tpu.memory_space<vmem>>)
        tpu.yield
      }) : () -> ()
      "tpu.region"() ({
        %run_scoped3A = tpu.sem_alloc : memref<!tpu.dma_semaphore, #tpu.memory_space<semaphore_mem>>
        %dma_start3A_91 = arith.constant 0 : i32
        %dma_start3A_92 = tpu.memref_slice %arg10[%dma_start3A_91] : memref<208xi32, #tpu.memory_space<vmem>> -> memref<200xi32, #tpu.memory_space<vmem>>
        %dma_start3A_93 = tpu.memref_slice %arg4[%add3A_40] : memref<320000xi32, #tpu.memory_space<hbm>> -> memref<200xi32, #tpu.memory_space<hbm>>
        %dma_start3A_94 = arith.constant 0 : i32
        %dma_start3A_95 = tpu.memref_slice %arg10[%dma_start3A_94] : memref<208xi32, #tpu.memory_space<vmem>> -> memref<200xi32, #tpu.memory_space<vmem>>
        %dma_start3A_96 = tpu.memref_slice %arg4[%add3A_40] : memref<320000xi32, #tpu.memory_space<hbm>> -> memref<200xi32, #tpu.memory_space<hbm>>
        tpu.enqueue_dma source(%dma_start3A_96 : memref<200xi32, #tpu.memory_space<hbm>>) target(%dma_start3A_95 : memref<200xi32, #tpu.memory_space<vmem>>) target_semaphore(%run_scoped3A : memref<!tpu.dma_semaphore, #tpu.memory_space<semaphore_mem>>)
        %dma_wait3A_97 = arith.constant 0 : i32
        %dma_wait3A_98 = tpu.memref_slice %arg10[%dma_wait3A_97] : memref<208xi32, #tpu.memory_space<vmem>> -> memref<200xi32, #tpu.memory_space<vmem>>
        %dma_wait3A_99 = tpu.memref_slice %arg4[%add3A_40] : memref<320000xi32, #tpu.memory_space<hbm>> -> memref<200xi32, #tpu.memory_space<hbm>>
        %dma_wait3A_100 = arith.constant 0 : i32
        %dma_wait3A_101 = tpu.memref_slice %arg10[%dma_wait3A_100] : memref<208xi32, #tpu.memory_space<vmem>> -> memref<200xi32, #tpu.memory_space<vmem>>
        %dma_wait3A_102 = tpu.memref_slice %arg4[%add3A_40] : memref<320000xi32, #tpu.memory_space<hbm>> -> memref<200xi32, #tpu.memory_space<hbm>>
        tpu.wait_dma2 semaphore(%run_scoped3A : memref<!tpu.dma_semaphore, #tpu.memory_space<semaphore_mem>>) src(%dma_wait3A_102 : memref<200xi32, #tpu.memory_space<hbm>>) dst(%dma_wait3A_101 : memref<200xi32, #tpu.memory_space<vmem>>)
        tpu.yield
      }) : () -> ()
      %dma_start3A_41 = arith.constant 0 : i32
      %dma_start3A_42 = arith.constant 0 : i32
      %dma_start3A_43 = tpu.memref_slice %arg2[%dma_start3A_41, %dma_start3A_42] : memref<10000x128xf32, #tpu.memory_space<hbm>> -> memref<10000x128xf32, #tpu.memory_space<hbm>>
      tpu.enqueue_indirect_dma source(%dma_start3A_43 : memref<10000x128xf32, #tpu.memory_space<hbm>>) target(%arg13 : memref<208x128xf32, #tpu.memory_space<vmem>>) offsets(%arg9 : memref<208xi32, #tpu.memory_space<vmem>>) semaphore(%arg19 : memref<!tpu.dma_semaphore, #tpu.memory_space<semaphore_mem>>)
      %dma_start3A_44 = arith.constant 0 : i32
      %dma_start3A_45 = arith.constant 0 : i32
      %dma_start3A_46 = tpu.memref_slice %arg2[%dma_start3A_44, %dma_start3A_45] : memref<10000x128xf32, #tpu.memory_space<hbm>> -> memref<10000x128xf32, #tpu.memory_space<hbm>>
      tpu.enqueue_indirect_dma source(%dma_start3A_46 : memref<10000x128xf32, #tpu.memory_space<hbm>>) target(%arg14 : memref<208x128xf32, #tpu.memory_space<vmem>>) offsets(%arg10 : memref<208xi32, #tpu.memory_space<vmem>>) semaphore(%arg20 : memref<!tpu.dma_semaphore, #tpu.memory_space<semaphore_mem>>)
      %dma_wait3A_47 = arith.constant 0 : i32
      %dma_wait3A_48 = arith.constant 0 : i32
      %dma_wait3A_49 = tpu.memref_slice %arg2[%dma_wait3A_47, %dma_wait3A_48] : memref<10000x128xf32, #tpu.memory_space<hbm>> -> memref<10000x128xf32, #tpu.memory_space<hbm>>
      tpu.wait_indirect_dma semaphore(%arg17 : memref<!tpu.dma_semaphore, #tpu.memory_space<semaphore_mem>>) src(%dma_wait3A_49 : memref<10000x128xf32, #tpu.memory_space<hbm>>) dst(%arg11 : memref<208x128xf32, #tpu.memory_space<vmem>>)
      %dma_wait3A_50 = arith.constant 0 : i32
      %dma_wait3A_51 = arith.constant 0 : i32
      %dma_wait3A_52 = tpu.memref_slice %arg2[%dma_wait3A_50, %dma_wait3A_51] : memref<10000x128xf32, #tpu.memory_space<hbm>> -> memref<10000x128xf32, #tpu.memory_space<hbm>>
      tpu.wait_indirect_dma semaphore(%arg18 : memref<!tpu.dma_semaphore, #tpu.memory_space<semaphore_mem>>) src(%dma_wait3A_52 : memref<10000x128xf32, #tpu.memory_space<hbm>>) dst(%arg12 : memref<208x128xf32, #tpu.memory_space<vmem>>)
      %parallel_loop3A = arith.constant 0 : i32
      %parallel_loop3A_53 = arith.constant 200 : i32
      %parallel_loop3A_54 = arith.constant 1 : i32
      scf.for %parallel_loop3A_91 = %parallel_loop3A to %parallel_loop3A_53 step %parallel_loop3A_54  : i32 {
        %parallel_loop3A_92 = arith.constant 0.000000e+00 : f32
        %parallel_loop3A_93 = vector.broadcast %parallel_loop3A_92 : f32 to vector<16xf32>
        %parallel_loop3A_94 = arith.index_cast %parallel_loop3A_91 : i32 to index
        %parallel_loop3A_95 = arith.constant 0 : index
        %parallel_loop3A_96 = tpu.vector_load %arg11[%parallel_loop3A_94, %parallel_loop3A_95] {strides = array<i32>} : memref<208x128xf32, #tpu.memory_space<vmem>>, vector<16xf32>,
        %parallel_loop3A_97 = arith.index_cast %parallel_loop3A_91 : i32 to index
        %parallel_loop3A_98 = arith.constant 0 : index
        %parallel_loop3A_99 = tpu.vector_load %arg12[%parallel_loop3A_97, %parallel_loop3A_98] {strides = array<i32>} : memref<208x128xf32, #tpu.memory_space<vmem>>, vector<16xf32>,
        %parallel_loop3A_100 = arith.subf %parallel_loop3A_96, %parallel_loop3A_99 : vector<16xf32>
        %parallel_loop3A_101 = arith.mulf %parallel_loop3A_100, %parallel_loop3A_100 : vector<16xf32>
        %parallel_loop3A_102 = arith.addf %parallel_loop3A_93, %parallel_loop3A_101 : vector<16xf32>
        %parallel_loop3A_103 = arith.index_cast %parallel_loop3A_91 : i32 to index
        %parallel_loop3A_104 = arith.constant 16 : index
        %parallel_loop3A_105 = tpu.vector_load %arg11[%parallel_loop3A_103, %parallel_loop3A_104] {strides = array<i32>} : memref<208x128xf32, #tpu.memory_space<vmem>>, vector<16xf32>,
        %parallel_loop3A_106 = arith.index_cast %parallel_loop3A_91 : i32 to index
        %parallel_loop3A_107 = arith.constant 16 : index
        %parallel_loop3A_108 = tpu.vector_load %arg12[%parallel_loop3A_106, %parallel_loop3A_107] {strides = array<i32>} : memref<208x128xf32, #tpu.memory_space<vmem>>, vector<16xf32>,
        %parallel_loop3A_109 = arith.subf %parallel_loop3A_105, %parallel_loop3A_108 : vector<16xf32>
        %parallel_loop3A_110 = arith.mulf %parallel_loop3A_109, %parallel_loop3A_109 : vector<16xf32>
        %parallel_loop3A_111 = arith.addf %parallel_loop3A_102, %parallel_loop3A_110 : vector<16xf32>
        %parallel_loop3A_112 = arith.index_cast %parallel_loop3A_91 : i32 to index
        %parallel_loop3A_113 = arith.constant 32 : index
        %parallel_loop3A_114 = tpu.vector_load %arg11[%parallel_loop3A_112, %parallel_loop3A_113] {strides = array<i32>} : memref<208x128xf32, #tpu.memory_space<vmem>>, vector<16xf32>,
        %parallel_loop3A_115 = arith.index_cast %parallel_loop3A_91 : i32 to index
        %parallel_loop3A_116 = arith.constant 32 : index
        %parallel_loop3A_117 = tpu.vector_load %arg12[%parallel_loop3A_115, %parallel_loop3A_116] {strides = array<i32>} : memref<208x128xf32, #tpu.memory_space<vmem>>, vector<16xf32>,
        %parallel_loop3A_118 = arith.subf %parallel_loop3A_114, %parallel_loop3A_117 : vector<16xf32>
        %parallel_loop3A_119 = arith.mulf %parallel_loop3A_118, %parallel_loop3A_118 : vector<16xf32>
        %parallel_loop3A_120 = arith.addf %parallel_loop3A_111, %parallel_loop3A_119 : vector<16xf32>
        %parallel_loop3A_121 = arith.index_cast %parallel_loop3A_91 : i32 to index
        %parallel_loop3A_122 = arith.constant 48 : index
        %parallel_loop3A_123 = tpu.vector_load %arg11[%parallel_loop3A_121, %parallel_loop3A_122] {strides = array<i32>} : memref<208x128xf32, #tpu.memory_space<vmem>>, vector<16xf32>,
        %parallel_loop3A_124 = arith.index_cast %parallel_loop3A_91 : i32 to index
        %parallel_loop3A_125 = arith.constant 48 : index
        %parallel_loop3A_126 = tpu.vector_load %arg12[%parallel_loop3A_124, %parallel_loop3A_125] {strides = array<i32>} : memref<208x128xf32, #tpu.memory_space<vmem>>, vector<16xf32>,
        %parallel_loop3A_127 = arith.subf %parallel_loop3A_123, %parallel_loop3A_126 : vector<16xf32>
        %parallel_loop3A_128 = arith.mulf %parallel_loop3A_127, %parallel_loop3A_127 : vector<16xf32>
        %parallel_loop3A_129 = arith.addf %parallel_loop3A_120, %parallel_loop3A_128 : vector<16xf32>
        %parallel_loop3A_130 = arith.index_cast %parallel_loop3A_91 : i32 to index
        %parallel_loop3A_131 = arith.constant 64 : index
        %parallel_loop3A_132 = tpu.vector_load %arg11[%parallel_loop3A_130, %parallel_loop3A_131] {strides = array<i32>} : memref<208x128xf32, #tpu.memory_space<vmem>>, vector<16xf32>,
        %parallel_loop3A_133 = arith.index_cast %parallel_loop3A_91 : i32 to index
        %parallel_loop3A_134 = arith.constant 64 : index
        %parallel_loop3A_135 = tpu.vector_load %arg12[%parallel_loop3A_133, %parallel_loop3A_134] {strides = array<i32>} : memref<208x128xf32, #tpu.memory_space<vmem>>, vector<16xf32>,
        %parallel_loop3A_136 = arith.subf %parallel_loop3A_132, %parallel_loop3A_135 : vector<16xf32>
        %parallel_loop3A_137 = arith.mulf %parallel_loop3A_136, %parallel_loop3A_136 : vector<16xf32>
        %parallel_loop3A_138 = arith.addf %parallel_loop3A_129, %parallel_loop3A_137 : vector<16xf32>
        %parallel_loop3A_139 = arith.index_cast %parallel_loop3A_91 : i32 to index
        %parallel_loop3A_140 = arith.constant 80 : index
        %parallel_loop3A_141 = tpu.vector_load %arg11[%parallel_loop3A_139, %parallel_loop3A_140] {strides = array<i32>} : memref<208x128xf32, #tpu.memory_space<vmem>>, vector<16xf32>,
        %parallel_loop3A_142 = arith.index_cast %parallel_loop3A_91 : i32 to index
        %parallel_loop3A_143 = arith.constant 80 : index
        %parallel_loop3A_144 = tpu.vector_load %arg12[%parallel_loop3A_142, %parallel_loop3A_143] {strides = array<i32>} : memref<208x128xf32, #tpu.memory_space<vmem>>, vector<16xf32>,
        %parallel_loop3A_145 = arith.subf %parallel_loop3A_141, %parallel_loop3A_144 : vector<16xf32>
        %parallel_loop3A_146 = arith.mulf %parallel_loop3A_145, %parallel_loop3A_145 : vector<16xf32>
        %parallel_loop3A_147 = arith.addf %parallel_loop3A_138, %parallel_loop3A_146 : vector<16xf32>
        %parallel_loop3A_148 = arith.index_cast %parallel_loop3A_91 : i32 to index
        %parallel_loop3A_149 = arith.constant 96 : index
        %parallel_loop3A_150 = tpu.vector_load %arg11[%parallel_loop3A_148, %parallel_loop3A_149] {strides = array<i32>} : memref<208x128xf32, #tpu.memory_space<vmem>>, vector<16xf32>,
        %parallel_loop3A_151 = arith.index_cast %parallel_loop3A_91 : i32 to index
        %parallel_loop3A_152 = arith.constant 96 : index
        %parallel_loop3A_153 = tpu.vector_load %arg12[%parallel_loop3A_151, %parallel_loop3A_152] {strides = array<i32>} : memref<208x128xf32, #tpu.memory_space<vmem>>, vector<16xf32>,
        %parallel_loop3A_154 = arith.subf %parallel_loop3A_150, %parallel_loop3A_153 : vector<16xf32>
        %parallel_loop3A_155 = arith.mulf %parallel_loop3A_154, %parallel_loop3A_154 : vector<16xf32>
        %parallel_loop3A_156 = arith.addf %parallel_loop3A_147, %parallel_loop3A_155 : vector<16xf32>
        %parallel_loop3A_157 = arith.index_cast %parallel_loop3A_91 : i32 to index
        %parallel_loop3A_158 = arith.constant 112 : index
        %parallel_loop3A_159 = tpu.vector_load %arg11[%parallel_loop3A_157, %parallel_loop3A_158] {strides = array<i32>} : memref<208x128xf32, #tpu.memory_space<vmem>>, vector<16xf32>,
        %parallel_loop3A_160 = arith.index_cast %parallel_loop3A_91 : i32 to index
        %parallel_loop3A_161 = arith.constant 112 : index
        %parallel_loop3A_162 = tpu.vector_load %arg12[%parallel_loop3A_160, %parallel_loop3A_161] {strides = array<i32>} : memref<208x128xf32, #tpu.memory_space<vmem>>, vector<16xf32>,
        %parallel_loop3A_163 = arith.subf %parallel_loop3A_159, %parallel_loop3A_162 : vector<16xf32>
        %parallel_loop3A_164 = arith.mulf %parallel_loop3A_163, %parallel_loop3A_163 : vector<16xf32>
        %parallel_loop3A_165 = arith.addf %parallel_loop3A_156, %parallel_loop3A_164 : vector<16xf32>
        %parallel_loop3A_166 = arith.constant true
        %parallel_loop3A_167 = vector.broadcast %parallel_loop3A_166 : i1 to vector<16xi1>
        %parallel_loop3A_168 = tpu.scan <sum>, %parallel_loop3A_165 masked %parallel_loop3A_167 : vector<16xf32>, vector<16xi1> -> vector<16xf32>
        %parallel_loop3A_169 = vector.broadcast %parallel_loop3A_91 : i32 to vector<16xi32>
        tpu.vector_store_idx %arg15[%parallel_loop3A_169], %parallel_loop3A_168 masked %eq3A_5 : memref<208xf32, #tpu.memory_space<vmem>>[vector<16xi32>], vector<16xf32>, vector<16xi1>
      } {sc.loop_unroll_factor = 4 : i64, sc.parallel_access}
      %parallel_loop3A_55 = arith.constant 0 : i32
      %parallel_loop3A_56 = arith.constant 13 : i32
      %parallel_loop3A_57 = arith.constant 1 : i32
      scf.for %parallel_loop3A_91 = %parallel_loop3A_55 to %parallel_loop3A_56 step %parallel_loop3A_57  : i32 {
        %parallel_loop3A_92 = arith.constant 16 : i32
        %parallel_loop3A_93 = arith.muli %parallel_loop3A_91, %parallel_loop3A_92 : i32
        %parallel_loop3A_94 = arith.index_cast %parallel_loop3A_93 : i32 to index
        %parallel_loop3A_95 = tpu.vector_load %arg15[%parallel_loop3A_94] {strides = array<i32>} : memref<208xf32, #tpu.memory_space<vmem>>, vector<16xf32>,
        %parallel_loop3A_96 = arith.mulf %parallel_loop3A_95, %get3A_1 : vector<16xf32>
        %parallel_loop3A_97 = math.exp %parallel_loop3A_96 : vector<16xf32>
        %parallel_loop3A_98 = arith.constant 16 : i32
        %parallel_loop3A_99 = arith.muli %parallel_loop3A_91, %parallel_loop3A_98 : i32
        %parallel_loop3A_100 = arith.index_cast %parallel_loop3A_99 : i32 to index
        %parallel_loop3A_101 = tpu.vector_load %arg15[%parallel_loop3A_100] {strides = array<i32>} : memref<208xf32, #tpu.memory_space<vmem>>, vector<16xf32>,
        tpu.vector_store %arg15[%parallel_loop3A_100], %parallel_loop3A_97 {strides = array<i32>} : memref<208xf32, #tpu.memory_space<vmem>>, vector<16xf32>,
      } {sc.loop_unroll_factor = 4 : i64, sc.parallel_access}
      %mul3A_58 = arith.constant 200 : i32
      %mul3A_59 = arith.muli %mul3A_35, %mul3A_58 : i32
      %add3A_60 = arith.addi %mul3A_3, %mul3A_59 : i32
      "tpu.region"() ({
        %run_scoped3A = tpu.sem_alloc : memref<!tpu.dma_semaphore, #tpu.memory_space<semaphore_mem>>
        %dma_start3A_91 = arith.constant 0 : i32
        %dma_start3A_92 = tpu.memref_slice %arg15[%dma_start3A_91] : memref<208xf32, #tpu.memory_space<vmem>> -> memref<200xf32, #tpu.memory_space<vmem>>
        %dma_start3A_93 = tpu.memref_slice %arg6[%add3A_60] : memref<320000xf32, #tpu.memory_space<hbm>> -> memref<200xf32, #tpu.memory_space<hbm>>
        %dma_start3A_94 = tpu.memref_slice %arg6[%add3A_60] : memref<320000xf32, #tpu.memory_space<hbm>> -> memref<200xf32, #tpu.memory_space<hbm>>
        %dma_start3A_95 = arith.constant 0 : i32
        %dma_start3A_96 = tpu.memref_slice %arg15[%dma_start3A_95] : memref<208xf32, #tpu.memory_space<vmem>> -> memref<200xf32, #tpu.memory_space<vmem>>
        tpu.enqueue_dma source(%dma_start3A_96 : memref<200xf32, #tpu.memory_space<vmem>>) target(%dma_start3A_94 : memref<200xf32, #tpu.memory_space<hbm>>) target_semaphore(%run_scoped3A : memref<!tpu.dma_semaphore, #tpu.memory_space<semaphore_mem>>)
        %dma_wait3A_97 = arith.constant 0 : i32
        %dma_wait3A_98 = tpu.memref_slice %arg15[%dma_wait3A_97] : memref<208xf32, #tpu.memory_space<vmem>> -> memref<200xf32, #tpu.memory_space<vmem>>
        %dma_wait3A_99 = tpu.memref_slice %arg6[%add3A_60] : memref<320000xf32, #tpu.memory_space<hbm>> -> memref<200xf32, #tpu.memory_space<hbm>>
        %dma_wait3A_100 = tpu.memref_slice %arg6[%add3A_60] : memref<320000xf32, #tpu.memory_space<hbm>> -> memref<200xf32, #tpu.memory_space<hbm>>
        %dma_wait3A_101 = arith.constant 0 : i32
        %dma_wait3A_102 = tpu.memref_slice %arg15[%dma_wait3A_101] : memref<208xf32, #tpu.memory_space<vmem>> -> memref<200xf32, #tpu.memory_space<vmem>>
        tpu.wait_dma2 semaphore(%run_scoped3A : memref<!tpu.dma_semaphore, #tpu.memory_space<semaphore_mem>>) src(%dma_wait3A_102 : memref<200xf32, #tpu.memory_space<vmem>>) dst(%dma_wait3A_100 : memref<200xf32, #tpu.memory_space<hbm>>)
        tpu.yield
      }) : () -> ()
      %add3A_61 = arith.constant 2 : i32
      %add3A_62 = arith.addi %mul3A_35, %add3A_61 : i32
      %min3A = arith.constant 49 : i32
      %min3A_63 = arith.minsi %add3A_62, %min3A : i32
      %mul3A_64 = arith.constant 200 : i32
      %mul3A_65 = arith.muli %min3A_63, %mul3A_64 : i32
      %add3A_66 = arith.addi %mul3A_3, %mul3A_65 : i32
      "tpu.region"() ({
        %run_scoped3A = tpu.sem_alloc : memref<!tpu.dma_semaphore, #tpu.memory_space<semaphore_mem>>
        %dma_start3A_91 = arith.constant 0 : i32
        %dma_start3A_92 = tpu.memref_slice %arg7[%dma_start3A_91] : memref<208xi32, #tpu.memory_space<vmem>> -> memref<200xi32, #tpu.memory_space<vmem>>
        %dma_start3A_93 = tpu.memref_slice %arg3[%add3A_66] : memref<320000xi32, #tpu.memory_space<hbm>> -> memref<200xi32, #tpu.memory_space<hbm>>
        %dma_start3A_94 = arith.constant 0 : i32
        %dma_start3A_95 = tpu.memref_slice %arg7[%dma_start3A_94] : memref<208xi32, #tpu.memory_space<vmem>> -> memref<200xi32, #tpu.memory_space<vmem>>
        %dma_start3A_96 = tpu.memref_slice %arg3[%add3A_66] : memref<320000xi32, #tpu.memory_space<hbm>> -> memref<200xi32, #tpu.memory_space<hbm>>
        tpu.enqueue_dma source(%dma_start3A_96 : memref<200xi32, #tpu.memory_space<hbm>>) target(%dma_start3A_95 : memref<200xi32, #tpu.memory_space<vmem>>) target_semaphore(%run_scoped3A : memref<!tpu.dma_semaphore, #tpu.memory_space<semaphore_mem>>)
        %dma_wait3A_97 = arith.constant 0 : i32
        %dma_wait3A_98 = tpu.memref_slice %arg7[%dma_wait3A_97] : memref<208xi32, #tpu.memory_space<vmem>> -> memref<200xi32, #tpu.memory_space<vmem>>
        %dma_wait3A_99 = tpu.memref_slice %arg3[%add3A_66] : memref<320000xi32, #tpu.memory_space<hbm>> -> memref<200xi32, #tpu.memory_space<hbm>>
        %dma_wait3A_100 = arith.constant 0 : i32
        %dma_wait3A_101 = tpu.memref_slice %arg7[%dma_wait3A_100] : memref<208xi32, #tpu.memory_space<vmem>> -> memref<200xi32, #tpu.memory_space<vmem>>
        %dma_wait3A_102 = tpu.memref_slice %arg3[%add3A_66] : memref<320000xi32, #tpu.memory_space<hbm>> -> memref<200xi32, #tpu.memory_space<hbm>>
        tpu.wait_dma2 semaphore(%run_scoped3A : memref<!tpu.dma_semaphore, #tpu.memory_space<semaphore_mem>>) src(%dma_wait3A_102 : memref<200xi32, #tpu.memory_space<hbm>>) dst(%dma_wait3A_101 : memref<200xi32, #tpu.memory_space<vmem>>)
        tpu.yield
      }) : () -> ()
      "tpu.region"() ({
        %run_scoped3A = tpu.sem_alloc : memref<!tpu.dma_semaphore, #tpu.memory_space<semaphore_mem>>
        %dma_start3A_91 = arith.constant 0 : i32
        %dma_start3A_92 = tpu.memref_slice %arg8[%dma_start3A_91] : memref<208xi32, #tpu.memory_space<vmem>> -> memref<200xi32, #tpu.memory_space<vmem>>
        %dma_start3A_93 = tpu.memref_slice %arg4[%add3A_66] : memref<320000xi32, #tpu.memory_space<hbm>> -> memref<200xi32, #tpu.memory_space<hbm>>
        %dma_start3A_94 = arith.constant 0 : i32
        %dma_start3A_95 = tpu.memref_slice %arg8[%dma_start3A_94] : memref<208xi32, #tpu.memory_space<vmem>> -> memref<200xi32, #tpu.memory_space<vmem>>
        %dma_start3A_96 = tpu.memref_slice %arg4[%add3A_66] : memref<320000xi32, #tpu.memory_space<hbm>> -> memref<200xi32, #tpu.memory_space<hbm>>
        tpu.enqueue_dma source(%dma_start3A_96 : memref<200xi32, #tpu.memory_space<hbm>>) target(%dma_start3A_95 : memref<200xi32, #tpu.memory_space<vmem>>) target_semaphore(%run_scoped3A : memref<!tpu.dma_semaphore, #tpu.memory_space<semaphore_mem>>)
        %dma_wait3A_97 = arith.constant 0 : i32
        %dma_wait3A_98 = tpu.memref_slice %arg8[%dma_wait3A_97] : memref<208xi32, #tpu.memory_space<vmem>> -> memref<200xi32, #tpu.memory_space<vmem>>
        %dma_wait3A_99 = tpu.memref_slice %arg4[%add3A_66] : memref<320000xi32, #tpu.memory_space<hbm>> -> memref<200xi32, #tpu.memory_space<hbm>>
        %dma_wait3A_100 = arith.constant 0 : i32
        %dma_wait3A_101 = tpu.memref_slice %arg8[%dma_wait3A_100] : memref<208xi32, #tpu.memory_space<vmem>> -> memref<200xi32, #tpu.memory_space<vmem>>
        %dma_wait3A_102 = tpu.memref_slice %arg4[%add3A_66] : memref<320000xi32, #tpu.memory_space<hbm>> -> memref<200xi32, #tpu.memory_space<hbm>>
        tpu.wait_dma2 semaphore(%run_scoped3A : memref<!tpu.dma_semaphore, #tpu.memory_space<semaphore_mem>>) src(%dma_wait3A_102 : memref<200xi32, #tpu.memory_space<hbm>>) dst(%dma_wait3A_101 : memref<200xi32, #tpu.memory_space<vmem>>)
        tpu.yield
      }) : () -> ()
      %dma_start3A_67 = arith.constant 0 : i32
      %dma_start3A_68 = arith.constant 0 : i32
      %dma_start3A_69 = tpu.memref_slice %arg2[%dma_start3A_67, %dma_start3A_68] : memref<10000x128xf32, #tpu.memory_space<hbm>> -> memref<10000x128xf32, #tpu.memory_space<hbm>>
      tpu.enqueue_indirect_dma source(%dma_start3A_69 : memref<10000x128xf32, #tpu.memory_space<hbm>>) target(%arg11 : memref<208x128xf32, #tpu.memory_space<vmem>>) offsets(%arg7 : memref<208xi32, #tpu.memory_space<vmem>>) semaphore(%arg17 : memref<!tpu.dma_semaphore, #tpu.memory_space<semaphore_mem>>)
      %dma_start3A_70 = arith.constant 0 : i32
      %dma_start3A_71 = arith.constant 0 : i32
      %dma_start3A_72 = tpu.memref_slice %arg2[%dma_start3A_70, %dma_start3A_71] : memref<10000x128xf32, #tpu.memory_space<hbm>> -> memref<10000x128xf32, #tpu.memory_space<hbm>>
      tpu.enqueue_indirect_dma source(%dma_start3A_72 : memref<10000x128xf32, #tpu.memory_space<hbm>>) target(%arg12 : memref<208x128xf32, #tpu.memory_space<vmem>>) offsets(%arg8 : memref<208xi32, #tpu.memory_space<vmem>>) semaphore(%arg18 : memref<!tpu.dma_semaphore, #tpu.memory_space<semaphore_mem>>)
      %dma_wait3A_73 = arith.constant 0 : i32
      %dma_wait3A_74 = arith.constant 0 : i32
      %dma_wait3A_75 = tpu.memref_slice %arg2[%dma_wait3A_73, %dma_wait3A_74] : memref<10000x128xf32, #tpu.memory_space<hbm>> -> memref<10000x128xf32, #tpu.memory_space<hbm>>
      tpu.wait_indirect_dma semaphore(%arg19 : memref<!tpu.dma_semaphore, #tpu.memory_space<semaphore_mem>>) src(%dma_wait3A_75 : memref<10000x128xf32, #tpu.memory_space<hbm>>) dst(%arg13 : memref<208x128xf32, #tpu.memory_space<vmem>>)
      %dma_wait3A_76 = arith.constant 0 : i32
      %dma_wait3A_77 = arith.constant 0 : i32
      %dma_wait3A_78 = tpu.memref_slice %arg2[%dma_wait3A_76, %dma_wait3A_77] : memref<10000x128xf32, #tpu.memory_space<hbm>> -> memref<10000x128xf32, #tpu.memory_space<hbm>>
      tpu.wait_indirect_dma semaphore(%arg20 : memref<!tpu.dma_semaphore, #tpu.memory_space<semaphore_mem>>) src(%dma_wait3A_78 : memref<10000x128xf32, #tpu.memory_space<hbm>>) dst(%arg14 : memref<208x128xf32, #tpu.memory_space<vmem>>)
      %add3A_79 = arith.constant 1 : i32
      %add3A_80 = arith.addi %mul3A_35, %add3A_79 : i32
      %parallel_loop3A_81 = arith.constant 0 : i32
      %parallel_loop3A_82 = arith.constant 200 : i32
      %parallel_loop3A_83 = arith.constant 1 : i32
      scf.for %parallel_loop3A_91 = %parallel_loop3A_81 to %parallel_loop3A_82 step %parallel_loop3A_83  : i32 {
        %parallel_loop3A_92 = arith.constant 0.000000e+00 : f32
        %parallel_loop3A_93 = vector.broadcast %parallel_loop3A_92 : f32 to vector<16xf32>
        %parallel_loop3A_94 = arith.index_cast %parallel_loop3A_91 : i32 to index
        %parallel_loop3A_95 = arith.constant 0 : index
        %parallel_loop3A_96 = tpu.vector_load %arg13[%parallel_loop3A_94, %parallel_loop3A_95] {strides = array<i32>} : memref<208x128xf32, #tpu.memory_space<vmem>>, vector<16xf32>,
        %parallel_loop3A_97 = arith.index_cast %parallel_loop3A_91 : i32 to index
        %parallel_loop3A_98 = arith.constant 0 : index
        %parallel_loop3A_99 = tpu.vector_load %arg14[%parallel_loop3A_97, %parallel_loop3A_98] {strides = array<i32>} : memref<208x128xf32, #tpu.memory_space<vmem>>, vector<16xf32>,
        %parallel_loop3A_100 = arith.subf %parallel_loop3A_96, %parallel_loop3A_99 : vector<16xf32>
        %parallel_loop3A_101 = arith.mulf %parallel_loop3A_100, %parallel_loop3A_100 : vector<16xf32>
        %parallel_loop3A_102 = arith.addf %parallel_loop3A_93, %parallel_loop3A_101 : vector<16xf32>
        %parallel_loop3A_103 = arith.index_cast %parallel_loop3A_91 : i32 to index
        %parallel_loop3A_104 = arith.constant 16 : index
        %parallel_loop3A_105 = tpu.vector_load %arg13[%parallel_loop3A_103, %parallel_loop3A_104] {strides = array<i32>} : memref<208x128xf32, #tpu.memory_space<vmem>>, vector<16xf32>,
        %parallel_loop3A_106 = arith.index_cast %parallel_loop3A_91 : i32 to index
        %parallel_loop3A_107 = arith.constant 16 : index
        %parallel_loop3A_108 = tpu.vector_load %arg14[%parallel_loop3A_106, %parallel_loop3A_107] {strides = array<i32>} : memref<208x128xf32, #tpu.memory_space<vmem>>, vector<16xf32>,
        %parallel_loop3A_109 = arith.subf %parallel_loop3A_105, %parallel_loop3A_108 : vector<16xf32>
        %parallel_loop3A_110 = arith.mulf %parallel_loop3A_109, %parallel_loop3A_109 : vector<16xf32>
        %parallel_loop3A_111 = arith.addf %parallel_loop3A_102, %parallel_loop3A_110 : vector<16xf32>
        %parallel_loop3A_112 = arith.index_cast %parallel_loop3A_91 : i32 to index
        %parallel_loop3A_113 = arith.constant 32 : index
        %parallel_loop3A_114 = tpu.vector_load %arg13[%parallel_loop3A_112, %parallel_loop3A_113] {strides = array<i32>} : memref<208x128xf32, #tpu.memory_space<vmem>>, vector<16xf32>,
        %parallel_loop3A_115 = arith.index_cast %parallel_loop3A_91 : i32 to index
        %parallel_loop3A_116 = arith.constant 32 : index
        %parallel_loop3A_117 = tpu.vector_load %arg14[%parallel_loop3A_115, %parallel_loop3A_116] {strides = array<i32>} : memref<208x128xf32, #tpu.memory_space<vmem>>, vector<16xf32>,
        %parallel_loop3A_118 = arith.subf %parallel_loop3A_114, %parallel_loop3A_117 : vector<16xf32>
        %parallel_loop3A_119 = arith.mulf %parallel_loop3A_118, %parallel_loop3A_118 : vector<16xf32>
        %parallel_loop3A_120 = arith.addf %parallel_loop3A_111, %parallel_loop3A_119 : vector<16xf32>
        %parallel_loop3A_121 = arith.index_cast %parallel_loop3A_91 : i32 to index
        %parallel_loop3A_122 = arith.constant 48 : index
        %parallel_loop3A_123 = tpu.vector_load %arg13[%parallel_loop3A_121, %parallel_loop3A_122] {strides = array<i32>} : memref<208x128xf32, #tpu.memory_space<vmem>>, vector<16xf32>,
        %parallel_loop3A_124 = arith.index_cast %parallel_loop3A_91 : i32 to index
        %parallel_loop3A_125 = arith.constant 48 : index
        %parallel_loop3A_126 = tpu.vector_load %arg14[%parallel_loop3A_124, %parallel_loop3A_125] {strides = array<i32>} : memref<208x128xf32, #tpu.memory_space<vmem>>, vector<16xf32>,
        %parallel_loop3A_127 = arith.subf %parallel_loop3A_123, %parallel_loop3A_126 : vector<16xf32>
        %parallel_loop3A_128 = arith.mulf %parallel_loop3A_127, %parallel_loop3A_127 : vector<16xf32>
        %parallel_loop3A_129 = arith.addf %parallel_loop3A_120, %parallel_loop3A_128 : vector<16xf32>
        %parallel_loop3A_130 = arith.index_cast %parallel_loop3A_91 : i32 to index
        %parallel_loop3A_131 = arith.constant 64 : index
        %parallel_loop3A_132 = tpu.vector_load %arg13[%parallel_loop3A_130, %parallel_loop3A_131] {strides = array<i32>} : memref<208x128xf32, #tpu.memory_space<vmem>>, vector<16xf32>,
        %parallel_loop3A_133 = arith.index_cast %parallel_loop3A_91 : i32 to index
        %parallel_loop3A_134 = arith.constant 64 : index
        %parallel_loop3A_135 = tpu.vector_load %arg14[%parallel_loop3A_133, %parallel_loop3A_134] {strides = array<i32>} : memref<208x128xf32, #tpu.memory_space<vmem>>, vector<16xf32>,
        %parallel_loop3A_136 = arith.subf %parallel_loop3A_132, %parallel_loop3A_135 : vector<16xf32>
        %parallel_loop3A_137 = arith.mulf %parallel_loop3A_136, %parallel_loop3A_136 : vector<16xf32>
        %parallel_loop3A_138 = arith.addf %parallel_loop3A_129, %parallel_loop3A_137 : vector<16xf32>
        %parallel_loop3A_139 = arith.index_cast %parallel_loop3A_91 : i32 to index
        %parallel_loop3A_140 = arith.constant 80 : index
        %parallel_loop3A_141 = tpu.vector_load %arg13[%parallel_loop3A_139, %parallel_loop3A_140] {strides = array<i32>} : memref<208x128xf32, #tpu.memory_space<vmem>>, vector<16xf32>,
        %parallel_loop3A_142 = arith.index_cast %parallel_loop3A_91 : i32 to index
        %parallel_loop3A_143 = arith.constant 80 : index
        %parallel_loop3A_144 = tpu.vector_load %arg14[%parallel_loop3A_142, %parallel_loop3A_143] {strides = array<i32>} : memref<208x128xf32, #tpu.memory_space<vmem>>, vector<16xf32>,
        %parallel_loop3A_145 = arith.subf %parallel_loop3A_141, %parallel_loop3A_144 : vector<16xf32>
        %parallel_loop3A_146 = arith.mulf %parallel_loop3A_145, %parallel_loop3A_145 : vector<16xf32>
        %parallel_loop3A_147 = arith.addf %parallel_loop3A_138, %parallel_loop3A_146 : vector<16xf32>
        %parallel_loop3A_148 = arith.index_cast %parallel_loop3A_91 : i32 to index
        %parallel_loop3A_149 = arith.constant 96 : index
        %parallel_loop3A_150 = tpu.vector_load %arg13[%parallel_loop3A_148, %parallel_loop3A_149] {strides = array<i32>} : memref<208x128xf32, #tpu.memory_space<vmem>>, vector<16xf32>,
        %parallel_loop3A_151 = arith.index_cast %parallel_loop3A_91 : i32 to index
        %parallel_loop3A_152 = arith.constant 96 : index
        %parallel_loop3A_153 = tpu.vector_load %arg14[%parallel_loop3A_151, %parallel_loop3A_152] {strides = array<i32>} : memref<208x128xf32, #tpu.memory_space<vmem>>, vector<16xf32>,
        %parallel_loop3A_154 = arith.subf %parallel_loop3A_150, %parallel_loop3A_153 : vector<16xf32>
        %parallel_loop3A_155 = arith.mulf %parallel_loop3A_154, %parallel_loop3A_154 : vector<16xf32>
        %parallel_loop3A_156 = arith.addf %parallel_loop3A_147, %parallel_loop3A_155 : vector<16xf32>
        %parallel_loop3A_157 = arith.index_cast %parallel_loop3A_91 : i32 to index
        %parallel_loop3A_158 = arith.constant 112 : index
        %parallel_loop3A_159 = tpu.vector_load %arg13[%parallel_loop3A_157, %parallel_loop3A_158] {strides = array<i32>} : memref<208x128xf32, #tpu.memory_space<vmem>>, vector<16xf32>,
        %parallel_loop3A_160 = arith.index_cast %parallel_loop3A_91 : i32 to index
        %parallel_loop3A_161 = arith.constant 112 : index
        %parallel_loop3A_162 = tpu.vector_load %arg14[%parallel_loop3A_160, %parallel_loop3A_161] {strides = array<i32>} : memref<208x128xf32, #tpu.memory_space<vmem>>, vector<16xf32>,
        %parallel_loop3A_163 = arith.subf %parallel_loop3A_159, %parallel_loop3A_162 : vector<16xf32>
        %parallel_loop3A_164 = arith.mulf %parallel_loop3A_163, %parallel_loop3A_163 : vector<16xf32>
        %parallel_loop3A_165 = arith.addf %parallel_loop3A_156, %parallel_loop3A_164 : vector<16xf32>
        %parallel_loop3A_166 = arith.constant true
        %parallel_loop3A_167 = vector.broadcast %parallel_loop3A_166 : i1 to vector<16xi1>
        %parallel_loop3A_168 = tpu.scan <sum>, %parallel_loop3A_165 masked %parallel_loop3A_167 : vector<16xf32>, vector<16xi1> -> vector<16xf32>
        %parallel_loop3A_169 = vector.broadcast %parallel_loop3A_91 : i32 to vector<16xi32>
        tpu.vector_store_idx %arg15[%parallel_loop3A_169], %parallel_loop3A_168 masked %eq3A_5 : memref<208xf32, #tpu.memory_space<vmem>>[vector<16xi32>], vector<16xf32>, vector<16xi1>
      } {sc.loop_unroll_factor = 4 : i64, sc.parallel_access}
      %parallel_loop3A_84 = arith.constant 0 : i32
      %parallel_loop3A_85 = arith.constant 13 : i32
      %parallel_loop3A_86 = arith.constant 1 : i32
      scf.for %parallel_loop3A_91 = %parallel_loop3A_84 to %parallel_loop3A_85 step %parallel_loop3A_86  : i32 {
        %parallel_loop3A_92 = arith.constant 16 : i32
        %parallel_loop3A_93 = arith.muli %parallel_loop3A_91, %parallel_loop3A_92 : i32
        %parallel_loop3A_94 = arith.index_cast %parallel_loop3A_93 : i32 to index
        %parallel_loop3A_95 = tpu.vector_load %arg15[%parallel_loop3A_94] {strides = array<i32>} : memref<208xf32, #tpu.memory_space<vmem>>, vector<16xf32>,
        %parallel_loop3A_96 = arith.mulf %parallel_loop3A_95, %get3A_1 : vector<16xf32>
        %parallel_loop3A_97 = math.exp %parallel_loop3A_96 : vector<16xf32>
        %parallel_loop3A_98 = arith.constant 16 : i32
        %parallel_loop3A_99 = arith.muli %parallel_loop3A_91, %parallel_loop3A_98 : i32
        %parallel_loop3A_100 = arith.index_cast %parallel_loop3A_99 : i32 to index
        %parallel_loop3A_101 = tpu.vector_load %arg15[%parallel_loop3A_100] {strides = array<i32>} : memref<208xf32, #tpu.memory_space<vmem>>, vector<16xf32>,
        tpu.vector_store %arg15[%parallel_loop3A_100], %parallel_loop3A_97 {strides = array<i32>} : memref<208xf32, #tpu.memory_space<vmem>>, vector<16xf32>,
      } {sc.loop_unroll_factor = 4 : i64, sc.parallel_access}
      %mul3A_87 = arith.constant 200 : i32
      %mul3A_88 = arith.muli %add3A_80, %mul3A_87 : i32
      %add3A_89 = arith.addi %mul3A_3, %mul3A_88 : i32
      "tpu.region"() ({
        %run_scoped3A = tpu.sem_alloc : memref<!tpu.dma_semaphore, #tpu.memory_space<semaphore_mem>>
        %dma_start3A_91 = arith.constant 0 : i32
        %dma_start3A_92 = tpu.memref_slice %arg15[%dma_start3A_91] : memref<208xf32, #tpu.memory_space<vmem>> -> memref<200xf32, #tpu.memory_space<vmem>>
        %dma_start3A_93 = tpu.memref_slice %arg6[%add3A_89] : memref<320000xf32, #tpu.memory_space<hbm>> -> memref<200xf32, #tpu.memory_space<hbm>>
        %dma_start3A_94 = tpu.memref_slice %arg6[%add3A_89] : memref<320000xf32, #tpu.memory_space<hbm>> -> memref<200xf32, #tpu.memory_space<hbm>>
        %dma_start3A_95 = arith.constant 0 : i32
        %dma_start3A_96 = tpu.memref_slice %arg15[%dma_start3A_95] : memref<208xf32, #tpu.memory_space<vmem>> -> memref<200xf32, #tpu.memory_space<vmem>>
        tpu.enqueue_dma source(%dma_start3A_96 : memref<200xf32, #tpu.memory_space<vmem>>) target(%dma_start3A_94 : memref<200xf32, #tpu.memory_space<hbm>>) target_semaphore(%run_scoped3A : memref<!tpu.dma_semaphore, #tpu.memory_space<semaphore_mem>>)
        %dma_wait3A_97 = arith.constant 0 : i32
        %dma_wait3A_98 = tpu.memref_slice %arg15[%dma_wait3A_97] : memref<208xf32, #tpu.memory_space<vmem>> -> memref<200xf32, #tpu.memory_space<vmem>>
        %dma_wait3A_99 = tpu.memref_slice %arg6[%add3A_89] : memref<320000xf32, #tpu.memory_space<hbm>> -> memref<200xf32, #tpu.memory_space<hbm>>
        %dma_wait3A_100 = tpu.memref_slice %arg6[%add3A_89] : memref<320000xf32, #tpu.memory_space<hbm>> -> memref<200xf32, #tpu.memory_space<hbm>>
        %dma_wait3A_101 = arith.constant 0 : i32
        %dma_wait3A_102 = tpu.memref_slice %arg15[%dma_wait3A_101] : memref<208xf32, #tpu.memory_space<vmem>> -> memref<200xf32, #tpu.memory_space<vmem>>
        tpu.wait_dma2 semaphore(%run_scoped3A : memref<!tpu.dma_semaphore, #tpu.memory_space<semaphore_mem>>) src(%dma_wait3A_102 : memref<200xf32, #tpu.memory_space<vmem>>) dst(%dma_wait3A_100 : memref<200xf32, #tpu.memory_space<hbm>>)
        tpu.yield
      }) : () -> ()
      %scan3A_90 = arith.constant 0 : i32
      scf.yield %scan3A_90 : i32
    }
    %scan3A_26 = arith.constant 25 : i32
    %dma_wait3A = arith.constant 0 : i32
    %dma_wait3A_27 = arith.constant 0 : i32
    %dma_wait3A_28 = tpu.memref_slice %arg2[%dma_wait3A, %dma_wait3A_27] : memref<10000x128xf32, #tpu.memory_space<hbm>> -> memref<10000x128xf32, #tpu.memory_space<hbm>>
    tpu.wait_indirect_dma semaphore(%arg17 : memref<!tpu.dma_semaphore, #tpu.memory_space<semaphore_mem>>) src(%dma_wait3A_28 : memref<10000x128xf32, #tpu.memory_space<hbm>>) dst(%arg11 : memref<208x128xf32, #tpu.memory_space<vmem>>)
    %dma_wait3A_29 = arith.constant 0 : i32
    %dma_wait3A_30 = arith.constant 0 : i32
    %dma_wait3A_31 = tpu.memref_slice %arg2[%dma_wait3A_29, %dma_wait3A_30] : memref<10000x128xf32, #tpu.memory_space<hbm>> -> memref<10000x128xf32, #tpu.memory_space<hbm>>
    tpu.wait_indirect_dma semaphore(%arg18 : memref<!tpu.dma_semaphore, #tpu.memory_space<semaphore_mem>>) src(%dma_wait3A_31 : memref<10000x128xf32, #tpu.memory_space<hbm>>) dst(%arg12 : memref<208x128xf32, #tpu.memory_space<vmem>>)
    return
  }
}

</mosaic_0001>

<sc_bundles>
// kernel: _edge_vals.3.cloned.1.call-start
scs
__scs_entry_jumppad:
0x0: {  	(pc) =	sbr.rel $0x88, $3  }
0x1: {  	(tag) =	ssettag $0x0;
	lr =	simm.s32 $0x1  }
0x2: {  	[smem:$0x3F9D] =	sst lr;
	_ =	strace $0xD0000000  }
0x3: {  	_ = 	snop  }
0x4: {  	_ = 	snop  }
0x5: {  	_ = 	snop  }
0x6: {  	_ = 	snop  }
0x7: {  	_ = 	snop  }
__scs_overlays_trampoline_lowered:
0x8: {  	[smem:$0x3FAC] =	sst s0  }
0x9: {  	[smem:$0x3FAD] =	sst s1  }
0xa: {  	[smem:$0x3FAE] =	sst s2  }
0xb: {  	[smem:$0x3FAF] =	sst s3  }
0xc: {  	[smem:$0x3FB0] =	sst s4  }
0xd: {  	[smem:$0x3FB1] =	sst s5  }
0xe: {  	[smem:$0x3FB2] =	sst s6  }
0xf: {  	[smem:$0x3FB3] =	sst s7  }
0x10: {  	[smem:$0x3FB4] =	sst s8  }
0x11: {  	[smem:$0x3FB5] =	sst s9;
	s0 =	simm.s32 @!p0 $0x0  }
0x12: {  	s1 =	sld [smem:$0x3F9B];
	s0 =	simm.s32 @p0 $0x1  }
0x13: {  	[smem:$0x3FB6] =	sst s0;
	s0 =	simm.s32 @!p1 $0x0  }
0x14: {  	s2 =	sld [smem:$0x3F9A];
	s0 =	simm.s32 @p1 $0x1  }
0x15: {  	[smem:$0x3FB7] =	sst s0;
	s0 =	simm.s32 @!p2 $0x0  }
0x16: {  	s3 =	sld [smem:$0x3FDB];
	s0 =	simm.s32 @p2 $0x1  }
0x17: {  	s4 =	simm.s32 $0x1BF5;
	[smem:$0x3FB9] =	sst s0  }
0x18: {  	s0 =	sld [smem:$0x3F9C];
	_ =	swait.ge [sflag:s4], $0x0  }
0x19: {  	s7 =	sld [smem:$0x3F9D]  }
0x1a: {  	s8 =	sadd.s32 $0xFFFFE003, lr  }
0x1b: {  	s9 =	sadd.s32 $0xFFFFFEF7, lr;
	s5 =	simm.s32 $0xFFFFFFFF;
	p2 =	slt.u32 s8, $0xFFFFF086  }
0x1c: {  	p1 =	slt.u32 s9, $0xF7A;
	s5 =	simm.s32 @!p2 $0x0  }
0x1d: {  	s5 =	simm.s32 @p1 $0x1;
	p0 =	seq.s32 s7, s2  }
0x1e: {  	s7 =	smul.u32 @!p0 $0xF7A, s2;
	p2 =	seq.s32 @!p0 s5, $0x0  }
0x1f: {  	s9 =	smul.u32 $0xF7A, s1;
	s8 =	simm.s32 @!p0 $0x1BF5;
	p2 =	por !p2, p0  }
0x20: {  	[sflag:s8] =	ssyncset.s32 @!p0 $0xFFFFF086;
	s6 =	sadd.s32 @!p0 s3, s7;
	s7 =	simm.s32 @!p0 $0x108  }
0x21: {  	s3 =	sadd.s32 s3, s9;
	s6 =	sadd.s32 @!p0 $0x88, s6;
	s7 =	simm.s32 @p2 $0x1082  }
0x22: {  	[simem:s7], [sflag:s8] =	dma.local @!p0 [hbm:s6], $0xF7A  }
0x23: {  	s9 =	sor.u32 $0xD0000000, s2;
	s6 =	simm.s32 $0x108;
	_ =	swait.ge @!p0 [sflag:s8], $0x0  }
0x24: {  	s3 =	sadd.s32 $0x88, s3;
	s6 =	simm.s32 @!p1 $0x1082;
	[sflag:s4] =	ssyncset.s32 $0xFFFFF086  }
0x25: {  	[simem:s6], [sflag:s4] =	dma.local [hbm:s3], $0xF7A  }
0x26: {  	[smem:$0x3F9D] =	sst s1;
	(tag) =	ssettag s2;
	_ =	strace s9  }
0x27: {  	s1 =	sld [smem:$0x3FAD]  }
0x28: {  	s2 =	sld [smem:$0x3FAE]  }
0x29: {  	s4 =	sld [smem:$0x3FB0]  }
0x2a: {  	p0 =	seq.s32 s5, $0x0;
	s5 =	sld [smem:$0x3FB1]  }
0x2b: {  	s6 =	sld [smem:$0x3FB2]  }
0x2c: {  	s7 =	sld [smem:$0x3FB3]  }
0x2d: {  	s3 =	simm.s32 $0x108;
	s8 =	sld [smem:$0x3FB4]  }
0x2e: {  	s3 =	simm.s32 @!p0 $0x1082;
	s9 =	sld [smem:$0x3FB5]  }
0x2f: {  	lr =	sadd.s32 s0, s3;
	s0 =	sld [smem:$0x3FAC]  }
0x30: {  	s3 =	sld [smem:$0x3FAF]  }
0x31: {  	[smem:$0x3FB8] =	sst s10  }
0x32: {  	s10 =	sld [smem:$0x3FB6];
	_ =	sdelay $0x3  }
0x33: {  	p0 =	seq.s32 s10, $0x1;
	s10 =	sld [smem:$0x3FB8];
	_ =	sdelay $0x3  }
0x34: {  	[smem:$0x3FB8] =	sst s10  }
0x35: {  	s10 =	sld [smem:$0x3FB7];
	_ =	sdelay $0x3  }
0x36: {  	p1 =	seq.s32 s10, $0x1;
	s10 =	sld [smem:$0x3FB8];
	_ =	sdelay $0x3  }
0x37: {  	[smem:$0x3FB8] =	sst s10  }
0x38: {  	s10 =	sld [smem:$0x3FB9]  }
0x39: {  	_ = 	snop;
	(pc) =	sbr.ind lr, $3  }
0x3a: {  	_ = 	snop  }
0x3b: {  	_ = 	snop  }
0x3c: {  	p2 =	seq.s32 s10, $0x1;
	s10 =	sld [smem:$0x3FB8]  }
0x3d: {  	_ =	shalt  }
0x3e: {  	_ =	shalt  }
0x3f: {  	_ =	shalt  }
0x40: {  	_ =	shalt  }
0x41: {  	_ =	shalt  }
0x42: {  	_ =	shalt  }
0x43: {  	_ =	shalt  }
0x44: {  	_ =	shalt  }
0x45: {  	_ =	shalt  }
0x46: {  	_ =	shalt  }
0x47: {  	_ =	shalt  }
0x48: {  	_ =	shalt  }
0x49: {  	_ =	shalt  }
0x4a: {  	_ =	shalt  }
0x4b: {  	_ =	shalt  }
0x4c: {  	_ =	shalt  }
0x4d: {  	_ =	shalt  }
0x4e: {  	_ =	shalt  }
0x4f: {  	_ =	shalt  }
0x50: {  	_ =	shalt  }
0x51: {  	_ =	shalt  }
0x52: {  	_ =	shalt  }
0x53: {  	_ =	shalt  }
0x54: {  	_ =	shalt  }
0x55: {  	_ =	shalt  }
0x56: {  	_ =	shalt  }
0x57: {  	_ =	shalt  }
0x58: {  	_ =	shalt  }
0x59: {  	_ =	shalt  }
0x5a: {  	_ =	shalt  }
0x5b: {  	_ =	shalt  }
0x5c: {  	_ =	shalt  }
0x5d: {  	_ =	shalt  }
0x5e: {  	_ =	shalt  }
0x5f: {  	_ =	shalt  }
0x60: {  	_ =	shalt  }
0x61: {  	_ =	shalt  }
0x62: {  	_ =	shalt  }
0x63: {  	_ =	shalt  }
0x64: {  	_ =	shalt  }
0x65: {  	_ =	shalt  }
0x66: {  	_ =	shalt  }
0x67: {  	_ =	shalt  }
0x68: {  	_ =	shalt  }
0x69: {  	_ =	shalt  }
0x6a: {  	_ =	shalt  }
0x6b: {  	_ =	shalt  }
0x6c: {  	_ =	shalt  }
0x6d: {  	_ =	shalt  }
0x6e: {  	_ =	shalt  }
0x6f: {  	_ =	shalt  }
0x70: {  	_ =	shalt  }
0x71: {  	_ =	shalt  }
0x72: {  	_ =	shalt  }
0x73: {  	_ =	shalt  }
0x74: {  	_ =	shalt  }
0x75: {  	_ =	shalt  }
0x76: {  	_ =	shalt  }
0x77: {  	_ =	shalt  }
0x78: {  	_ =	shalt  }
0x79: {  	_ =	shalt  }
0x7a: {  	_ =	shalt  }
0x7b: {  	_ =	shalt  }
0x7c: {  	_ =	shalt  }
0x7d: {  	_ =	shalt  }
0x7e: {  	_ =	shalt  }
0x7f: {  	_ =	shalt  }
0x80: {  	_ =	shalt  }
0x81: {  	_ =	shalt  }
0x82: {  	_ =	shalt  }
0x83: {  	_ =	shalt  }
0x84: {  	_ =	shalt  }
0x85: {  	_ =	shalt  }
0x86: {  	_ =	shalt  }
0x87: {  	_ =	shalt  }
.Lfunc_end0:
.L_simem_size_0:
called_computation_lowered:
.L_overlay_start_0:
0x88: {  	s2 =	sld [smem:$0x3FD9]  }
0x89: {  	s3 =	sld [smem:$0x3FFE];
	_ =	sdelay $0x1  }
0x8a: {  	s1 =	srdreg.scid  }
0x8b: {  	s0 =	sand.u32 $0x1, s1  }
0x8c: {  	s18 =	sshll.u32 s0, $0xA;
	s2 =	sadd.s32 s3, s2  }
0x8d: {  	s2 =	sadd.s32 s2, s18  }
0x8e: {  	[smem:$0x3FC4] =	sst s2  }
0x8f: {  	_ = 	snop  }
0x90: {  	s2 =	sld [smem:$0x3FC9]  }
0x91: {  	s19 =	sld [smem:$0x3FC8]  }
0x92: {  	s4 =	sld [smem:$0x3FC7]  }
0x93: {  	s5 =	sld [smem:$0x3FC6]  }
0x94: {  	s6 =	sld [smem:$0x3FD0];
	(tm) =	ssettm $0x1  }
0x95: {  	s7 =	sld [smem:$0x3FFB];
	_ =	sdelay $0x3  }
0x96: {  	_ =	strace s7  }
0x97: {  	s7 =	sld [smem:$0x3FFC];
	_ =	sdelay $0x3  }
0x98: {  	_ =	strace s7  }
0x99: {  	s7 =	sld [smem:$0x3FFD];
	_ =	sdelay $0x3  }
0x9a: {  	_ =	strace s7  }
0x9b: {  	_ =	strace $0x8FFFFFFF  }
0x9c: {  	s20 =	sld [smem:$0x3FDB];
	_ =	sdelay $0x1  }
0x9d: {  	s8 =	simm.s32 $_scs_section_size  }
0x9e: {  	s9 =	simm.s32 $_size__tile_overlayer_lowered;
	s10 =	simm.s32 $_tile_overlayer_lowered  }
0x9f: {  	s23 =	simm.s32 $0x1BFF;
	s22 =	sshll.u32 s10, $0x1;
	s7 =	sadd.s32 s8, s20  }
0xa0: {  	s11 =	simm.s32 $0x0;
	s21 =	sshll.u32 s9, $0x1;
	s9 =	sadd.s32 s22, s7  }
0xa1: {  	[timem:s11], [sflag:s23] =	dma.local [hbm:s9], s21  }
0xa2: {  	_ =	swait.ge [sflag:s23], s21  }
0xa3: {  	s8 =	ssub.s32 $0x0, s21;
	[sflag:s23] =	ssyncset.done $0x0  }
0xa4: {  	[sflag:s23] =	ssyncadd.s32 s8;
	_ =	sdelay $0x1  }
0xa5: {  	s24 =	simm.s32 $0x1B8B  }
0xa6: {  	_ =	swait.ge [sflag:s24], $0x1  }
0xa7: {  	[sflag:s24] =	ssyncset.done $0x0  }
0xa8: {  	s25 =	simm.s32 $0x1B8E;
	[sflag:s24] =	ssyncadd.s32 $0xFFFFFFFF  }
0xa9: {  	s26 =	simm.s32 $execute0_lowered;
	[smem:$0x3FD2] =	sst s25  }
0xaa: {  	s8 =	sshll.u32 s26, $0x1;
	_ =	strace $0x80000046;
	[dreg:$0x1] =	wrdreg $0xFFFFFFFF  }
0xab: {  	s28 =	simm.s32 $_size_execute0_lowered;
	s7 =	sadd.s32 s7, s8;
	[dreg:$0x0] =	wrdreg $0x0  }
0xac: {  	s8 =	sshll.u32 s28, $0x1;
	[dreg:$0x2] =	wrdreg s7  }
0xad: {  	[dreg:$0x3] =	wrdreg s8  }
0xae: {  	[dreg:$0x4] =	wrdreg $0xC0  }
0xaf: {  	_ =	task [dreg:s11], $0x5FFFF  }
0xb0: {  	[dreg:$0x1] =	wrdreg $0xFFFFFFFF  }
0xb1: {  	[dreg:$0x0] =	wrdreg $0x60  }
0xb2: {  	[dreg:$0x2] =	wrdreg s2  }
0xb3: {  	[dreg:$0x3] =	wrdreg s19  }
0xb4: {  	[dreg:$0x4] =	wrdreg s4  }
0xb5: {  	[dreg:$0x5] =	wrdreg s5  }
0xb6: {  	[dreg:$0x6] =	wrdreg s6  }
0xb7: {  	[dreg:$0x7] =	wrdreg $0x9  }
0xb8: {  	_ =	task.clear_ibuf [dreg:s11], $0x8FFFF;
	_ =	strace $0x90000046  }
0xb9: {  	s29 =	simm.s32 $0x9;
	_ =	strace $0x80000048  }
0xba: {  	_ =	swait.ge [sflag:s29], $0x1  }
0xbb: {  	[sflag:s29] =	ssyncadd.s32 $0xFFFFFFFF  }
0xbc: {  	_ =	strace $0x90000048  }
0xbd: {  	_ =	sfence  }
0xbe: {  	s30 =	sld [smem:$0x0];
	_ =	sdelay $0x2  }
0xbf: {  	s31 =	sshll.u32 s1, $0xD;
	s1 =	sshrl.u32 s1, $0x2  }
0xc0: {  	s3 =	sand.u32 $0x4000, s31;
	s1 =	sadd.s32 s1, s30  }
0xc1: {  	s0 =	sor.u32 s3, s0;
	s1 =	sshll.u32 s1, $0x11  }
0xc2: {  	s0 =	sor.u32 s1, s0  }
0xc3: {  	s0 =	sadd.s32 $0x8F2B, s0  }
0xc4: {  	[sflag:s0] =	ssyncadd.remote.s32 $0x1  }
0xc5: {  	_ =	sfence.sel $0xFFFF  }
0xc6: {  	[dreg:$0x0] =	wrdreg $0xFFFFFFFF;
	(pc) =	sbr.abs _section_cstart, $3  }
0xc7: {  	[dreg:$0x1] =	wrdreg $0xFFFFFFFF  }
0xc8: {  	_ =	task.clear_ibuf [dreg:s11], $0x2FFFF;
	_ =	strace $0x9FFFFFFF  }
0xc9: {  	(tm) =	ssettm $0x7FFFFFFF  }
tec
execute0_lowered:
.L_overlay_start_1:
0x0: {  	(tag) =	ssettag $0x1  }
0x1: {  	s0 =	rddreg [dreg:$0x0]  }
0x2: {  	s2 =	rddreg [dreg:$0x1]  }
0x3: {  	s3 =	rddreg [dreg:$0x2]  }
0x4: {  	s1 =	srdreg.scid;
	s4 =	stileid.u32  }
0x5: {  	s6 =	rddreg [dreg:$0x4];
	s7 =	simm.s32 $0x0;
	s15 =	simm.s32 $0x5  }
0x6: {  	s16 =	simm.s32 $0x100;
	s17 =	simm.s32 $0xD0;
	s18 =	simm.s32 $0x400  }
0x7: {  	s19 =	simm.s32 $0x6C00;
	s20 =	simm.s32 $0x200;
	s21 =	simm.s32 $0x300  }
0x8: {  	s22 =	simm.s32 $0xD400;
	s23 =	simm.s32 $0x13C00;
	s24 =	simm.s32 $0x1  }
0x9: {  	s25 =	simm.s32 $0x2;
	s1 =	sand.u32 $0x1, s1;
	s4 =	sshll.u32 s4, $0x1  }
0xa: {  	s26 =	simm.s32 $0x1A400;
	s4 =	sor.u32 s1, s4;
	s1 =	ssub.s32 $0x2, s1  }
0xb: {  	s28 =	simm.s32 $0x3;
	s8 =	smul.u32 $0x2710, s4;
	s30 =	sshrl.u32 s1, $0x1  }
.Ltmp0:
0xc: {  	s29 =	simm.s32 $0x4;
	s1 =	ssub.s32 s1, s30;
	(pc) =	sbr.rel .LBB2_1-.Ltmp0, $4  }
0xd: {  	[smem:$0x7FF] =	sst s7;
	s31 =	sshrl.u32 s8, $0x3;
	s1 =	smax.u32 s1, $0x1  }
0xe: {  	_ =	strace $0x80000047;
	s5 =	sadd.s32 s2, s31;
	[dreg:$0x8] =	wrdreg s1  }
0xf: {  	s11 =	sadd.s32 $0xC8, s8;
	s4 =	sadd.s32 s3, s31;
	[dreg:$0x6] =	wrdreg s5  }
0x10: {  	v0 =	vimm.s32 $0x0;
	vm0 =	vcmask $0x3F3C;
	s12 =	sadd.s32 $0x190, s8;
	[dreg:$0x7] =	wrdreg s4;
	s4 =	simm.s32 $0x0  }
.LBB2_23:
0x11: {  	_ =	swait.ge [sflag:s24], $0x6800  }
0x12: {  	[sflag:s24] =	ssyncset.done $0x0  }
0x13: {  	[sflag:s24] =	ssyncadd.s32 $0xFFFF9800  }
0x14: {  	_ =	swait.ge [sflag:s25], $0x6800  }
0x15: {  	s4 =	rddreg [dreg:$0x9]  }
0x16: {  	s1 =	rddreg [dreg:$0x8];
	s4 =	sadd.s32 $0x1, s4  }
0x17: {  	p0 =	sne.s32 s4, s1  }
.Ltmp1:
0x18: {  	_ = 	snop;
	(pc) =	sbr.rel @!p0 .LBB2_24-.Ltmp1, $3  }
0x19: {  	_ =	sdelay $0x1  }
0x1a: {  	[sflag:s25] =	ssyncset.done $0x0  }
0x1b: {  	[sflag:s25] =	ssyncadd.s32 $0xFFFF9800  }
.LBB2_1:
0x1c: {  	[dreg:$0x9] =	wrdreg s4  }
0x1d: {  	s1 =	rddreg [dreg:$0x3];
	s13 =	simm.s32 $0x1A500  }
0x1e: {  	[tilespmem:s13], [sflag:$0x5] =	stream.linear.gather [hbm4b:s1+s7], $0x80, $0x38;
	[tilespmem:$0x1A580] =	vst v63  }
0x1f: {  	_ =	swait.ge [sflag:s15], $0x80  }
0x20: {  	[sflag:s15] =	ssyncset.done $0x0  }
0x21: {  	[sflag:s15] =	ssyncadd.s32 $0xFFFFFF80  }
0x22: {  	[tilespmem:$0xC0] =	vst v0  }
0x23: {  	[tilespmem:$0x1C0] =	vst v0  }
0x24: {  	[tilespmem:$0x2C0] =	vst v0  }
0x25: {  	s14 =	rddreg [dreg:$0x6];
	[tilespmem:$0x3C0] =	vst v0  }
0x26: {  	v1 =	vld [tilespmem:$0x1A500];
	[tilespmem:s7], [sflag:$0x5] =	stream.linear.gather [hbm4b:s14+s7], $0xC8, $0x38  }
0x27: {  	_ =	swait.ge [sflag:s15], $0xC8  }
0x28: {  	[sflag:s15] =	ssyncset.done $0x0  }
0x29: {  	s30 =	rddreg [dreg:$0x7];
	[sflag:s15] =	ssyncadd.s32 $0xFFFFFF38  }
0x2a: {  	[tilespmem:s16], [sflag:$0x5] =	stream.linear.gather [hbm4b:s30+s7], $0xC8, $0x38;
	[tilespmem:$0x1A580] =	vst v63  }
0x2b: {  	_ =	swait.ge [sflag:s15], $0xC8  }
0x2c: {  	[sflag:s15] =	ssyncset.done $0x0  }
0x2d: {  	[sflag:s15] =	ssyncadd.s32 $0xFFFFFF38  }
0x2e: {  	[tilespmem:s18], [sflag:$0x1] =	stream.indirect.gather [hbm4b:s0+s17], $0x80, s7, s17, $0xb8;
	[tilespmem:$0x1A580] =	vst v63  }
0x2f: {  	s31 =	simm.s32 $0x0  }
0x30: {  	[tilespmem:s19], [sflag:$0x2] =	stream.indirect.gather [hbm4b:s0+s17], $0x80, s16, s17, $0xb8;
	[tilespmem:$0x1A580] =	vst v63  }
.LBB2_2:
0x31: {  	s1 =	smul.u32 $0x190, s31;
	_ =	sdelay $0x1  }
0x32: {  	s4 =	sadd.s32 s1, s11  }
0x33: {  	s4 =	sshrl.u32 s4, $0x3  }
0x34: {  	s5 =	simm.s32 $0x0;
	s9 =	sadd.s32 s2, s4  }
0x35: {  	[tilespmem:s20], [sflag:$0x5] =	stream.linear.gather [hbm4b:s9+s5], $0xC8, $0x38;
	[tilespmem:$0x1A580] =	vst v63  }
0x36: {  	_ =	swait.ge [sflag:s15], $0xC8  }
0x37: {  	[sflag:s15] =	ssyncset.done $0x0  }
0x38: {  	s14 =	sadd.s32 s3, s4;
	[sflag:s15] =	ssyncadd.s32 $0xFFFFFF38  }
0x39: {  	[tilespmem:s21], [sflag:$0x5] =	stream.linear.gather [hbm4b:s14+s5], $0xC8, $0x38;
	[tilespmem:$0x1A580] =	vst v63  }
0x3a: {  	_ =	swait.ge [sflag:s15], $0xC8  }
0x3b: {  	[sflag:s15] =	ssyncset.done $0x0  }
0x3c: {  	[sflag:s15] =	ssyncadd.s32 $0xFFFFFF38  }
0x3d: {  	[tilespmem:s22], [sflag:$0x3] =	stream.indirect.gather [hbm4b:s0+s17], $0x80, s20, s17, $0xb8;
	[tilespmem:$0x1A580] =	vst v63  }
0x3e: {  	_ = 	snop  }
0x3f: {  	[tilespmem:s23], [sflag:$0x4] =	stream.indirect.gather [hbm4b:s0+s17], $0x80, s21, s17, $0xb8;
	[tilespmem:$0x1A580] =	vst v63  }
0x40: {  	_ =	swait.ge [sflag:s24], $0x6800  }
0x41: {  	[sflag:s24] =	ssyncset.done $0x0  }
0x42: {  	[sflag:s24] =	ssyncadd.s32 $0xFFFF9800  }
0x43: {  	_ =	swait.ge [sflag:s25], $0x6800  }
0x44: {  	[sflag:s25] =	ssyncset.done $0x0  }
0x45: {  	s10 =	simm.s32 $0x500;
	[sflag:s25] =	ssyncadd.s32 $0xFFFF9800  }
0x46: {  	s30 =	simm.s32 $0x6D00;
	v2 =	vld [tilespmem:s10+$0x80]  }
0x47: {  	v3 =	vld [tilespmem:s30+$0x80]  }
0x48: {  	v4 =	vld [tilespmem:s10+$0x90]  }
0x49: {  	v5 =	vld [tilespmem:s30+$0x90]  }
0x4a: {  	v6 =	vld [tilespmem:s10+$0xA0]  }
0x4b: {  	v7 =	vld [tilespmem:s30+$0xA0]  }
0x4c: {  	v8 =	vld [tilespmem:s10+$0xB0]  }
0x4d: {  	v9 =	vld [tilespmem:s30+$0xB0]  }
0x4e: {  	v10 =	vld [tilespmem:s10+$0xC0]  }
0x4f: {  	v11 =	vld [tilespmem:s30+$0xC0]  }
0x50: {  	v12 =	vld [tilespmem:s10+$0xD0]  }
0x51: {  	v13 =	vld [tilespmem:s30+$0xD0]  }
0x52: {  	v14 =	vld [tilespmem:s10+$0xE0]  }
0x53: {  	v15 =	vld [tilespmem:s30+$0xE0]  }
0x54: {  	v16 =	vld [tilespmem:s10+$0xF0]  }
0x55: {  	v17 =	vld [tilespmem:s30+$0xF0]  }
0x56: {  	v18 =	vld [tilespmem:s30+$0xFFFFFF00]  }
0x57: {  	v19 =	vld [tilespmem:s10+$0xFFFFFF10]  }
0x58: {  	v20 =	vld [tilespmem:s30+$0xFFFFFF10]  }
0x59: {  	v21 =	vld [tilespmem:s10+$0xFFFFFF80]  }
0x5a: {  	v22 =	vld [tilespmem:s30+$0xFFFFFF80]  }
0x5b: {  	v23 =	vld [tilespmem:s10+$0xFFFFFF90]  }
0x5c: {  	v24 =	vld [tilespmem:s30+$0xFFFFFF90]  }
0x5d: {  	v25 =	vld [tilespmem:s10+$0x0]  }
0x5e: {  	v26 =	vld [tilespmem:s30+$0x0]  }
0x5f: {  	v27 =	vld [tilespmem:s10+$0x10]  }
0x60: {  	v28 =	vld [tilespmem:s30+$0x10]  }
0x61: {  	v29 =	vld [tilespmem:s10+$0xFFFFFF00]  }
0x62: {  	v30 =	vld [tilespmem:s10+$0xFFFFFF20]  }
0x63: {  	v31 =	vld [tilespmem:s10+$0x20]  }
0x64: {  	v48 =	vld [tilespmem:s30+$0xFFFFFF40]  }
0x65: {  	v51 =	vld [tilespmem:s10+$0xFFFFFFC0]  }
0x66: {  	v53 =	vld [tilespmem:s10+$0x40]  }
0x67: {  	v54 =	vld [tilespmem:s30+$0x40]  }
0x68: {  	v55 =	vld [tilespmem:s10+$0xFFFFFF50];
	v2 =	vsub.f32 v2, v3;
	v3 =	vsub.f32 v4, v5  }
0x69: {  	v57 =	vld [tilespmem:s30+$0xFFFFFF50]  }
0x6a: {  	v58 =	vld [tilespmem:s30+$0xFFFFFFD0];
	v6 =	vsub.f32 v6, v7;
	v2 =	vmul.f32 v2, v2;
	v3 =	vmul.f32 v3, v3  }
0x6b: {  	v4 =	vld [tilespmem:s30+$0xFFFFFF20]  }
0x6c: {  	v5 =	vld [tilespmem:s10+$0xFFFFFFA0];
	v2 =	vadd.f32 v3, v2;
	v3 =	vmul.f32 v6, v6;
	v6 =	vsub.f32 v8, v9  }
0x6d: {  	v7 =	vld [tilespmem:s30+$0xFFFFFFA0];
	v49 =	vsub.f32 v21, v22;
	v50 =	vsub.f32 v23, v24  }
0x6e: {  	v8 =	vld [tilespmem:s30+$0x20];
	v2 =	vadd.f32 v3, v2;
	v3 =	vmul.f32 v6, v6;
	v6 =	vsub.f32 v10, v11  }
0x6f: {  	v19 =	vsub.f32 v19, v20;
	v18 =	vsub.f32 v29, v18;
	v9 =	vld [tilespmem:s10+$0xFFFFFF30]  }
0x70: {  	v10 =	vld [tilespmem:s30+$0xFFFFFF30];
	v2 =	vadd.f32 v3, v2;
	v3 =	vmul.f32 v6, v6;
	v6 =	vsub.f32 v12, v13  }
0x71: {  	v56 =	vsub.f32 v27, v28;
	v52 =	vmul.f32 v50, v50;
	v19 =	vmul.f32 v19, v19;
	v11 =	vld [tilespmem:s10+$0xFFFFFFB0]  }
0x72: {  	v12 =	vld [tilespmem:s30+$0xFFFFFFB0];
	v2 =	vadd.f32 v3, v2;
	v3 =	vmul.f32 v6, v6;
	v6 =	vsub.f32 v14, v15  }
0x73: {  	v18 =	vmul.f32 v18, v18;
	v24 =	vmul.f32 v56, v56;
	v4 =	vsub.f32 v30, v4;
	v13 =	vld [tilespmem:s10+$0x30]  }
0x74: {  	v14 =	vld [tilespmem:s30+$0x30];
	v2 =	vadd.f32 v3, v2;
	v3 =	vmul.f32 v6, v6;
	v6 =	vsub.f32 v16, v17  }
0x75: {  	v18 =	vadd.f32 v19, v18;
	v5 =	vsub.f32 v5, v7;
	v4 =	vmul.f32 v4, v4;
	v15 =	vld [tilespmem:s10+$0xFFFFFF40]  }
0x76: {  	v59 =	vld [tilespmem:s10+$0x50];
	v8 =	vsub.f32 v31, v8;
	v2 =	vadd.f32 v3, v2;
	v3 =	vmul.f32 v6, v6  }
0x77: {  	v4 =	vadd.f32 v4, v18;
	v9 =	vsub.f32 v9, v10;
	v17 =	vmul.f32 v49, v49;
	v6 =	vld [tilespmem:s30+$0xFFFFFFC0]  }
0x78: {  	v60 =	vld [tilespmem:s10+$0xFFFFFF60];
	v5 =	vmul.f32 v5, v5;
	v2 =	vadd.f32 v3, v2;
	v3 =	vsub.f32 v25, v26  }
0x79: {  	v7 =	vld [tilespmem:s10+$0xFFFFFFD0];
	v11 =	vsub.f32 v11, v12;
	v9 =	vmul.f32 v9, v9;
	v17 =	vadd.f32 v52, v17  }
0x7a: {  	v10 =	vld [tilespmem:s30+$0x50];
	v12 =	vsub.f32 v13, v14;
	v13 =	vsub.f32 v15, v48;
	v3 =	vmul.f32 v3, v3  }
0x7b: {  	v8 =	vmul.f32 v8, v8;
	v14 =	vld [tilespmem:s10+$0xFFFFFFE0];
	v5 =	vadd.f32 v5, v17;
	(xrf2) =	vadd.scan.msk.f32 $0xffff, v2;
	v2 =	vadd.f32 v9, v4  }
0x7c: {  	v15 =	vld [tilespmem:s10+$0x60];
	v4 =	vmul.f32 v11, v11;
	v6 =	vsub.f32 v51, v6;
	v3 =	vadd.f32 v24, v3  }
0x7d: {  	v9 =	vld [tilespmem:s30+$0xFFFFFFE0];
	v11 =	vmul.f32 v12, v12  }
0x7e: {  	v4 =	vadd.f32 v4, v5;
	v5 =	vmul.f32 v6, v6;
	v3 =	vadd.f32 v8, v3;
	v8 =	vld [tilespmem:s30+$0xFFFFFF60]  }
0x7f: {  	s13 =	simm.s32 $0x3;
	v7 =	vsub.f32 v7, v58;
	v12 =	vmul.f32 v13, v13;
	v13 =	vsub.f32 v53, v54;
	v6 =	vld [tilespmem:s30+$0x60]  }
0x80: {  	v63 =	vmov s13;
	v4 =	vadd.f32 v5, v4;
	v5 =	vld [tilespmem:s30+$0xFFFFFF70];
	v3 =	vadd.f32 v11, v3  }
0x81: {  	v11 =	vadd.f32 v12, v2;
	v2 =	vmul.f32 v13, v13;
	v12 =	vld [tilespmem:s10+$0xFFFFFF70];
	v13 =	vsub.f32 v55, v57  }
0x82: {  	v62 =	vld [tilespmem:s10+$0xFFFFFFF0];
	v7 =	vmul.f32 v7, v7;
	v10 =	vsub.f32 v59, v10;
	v9 =	vsub.f32 v14, v9  }
0x83: {  	v61 =	vadd.f32 v2, v3;
	v3 =	vmul.f32 v13, v13;
	v13 =	vld [tilespmem:s30+$0xFFFFFFF0];
	v8 =	vsub.f32 v60, v8  }
0x84: {  	v10 =	vmul.f32 v10, v10;
	v14 =	vadd.f32 v7, v4;
	v2 =	vld [tilespmem:s10+$0x70]  }
0x85: {  	s9 =	simm.s32 $0x700;
	v6 =	vsub.f32 v15, v6;
	v11 =	vadd.f32 v3, v11;
	v3 =	vld [tilespmem:s30+$0x70];
	v4 =	vmul.f32 v8, v8  }
0x86: {  	v7 =	vld [tilespmem:s9+$0x80];
	s10 =	simm.s32 $0x6F00;
	v15 =	vadd.f32 v10, v61;
	v8 =	vmul.f32 v9, v9;
	v9, _, _ =	vpop (xrf2);
	v12 =	vsub.f32 v12, v5  }
0x87: {  	v6 =	vmul.f32 v6, v6;
	v10 =	vld [tilespmem:s10+$0x80];
	[tilespmem:v63+s26+$0x0] =	vst.idx.msk vm0, v9;
	v4 =	vadd.f32 v4, v11  }
0x88: {  	v5 =	vadd.f32 v8, v14;
	v11 =	vld [tilespmem:s9+$0x90];
	v8 =	vmul.f32 v12, v12;
	v9 =	vsub.f32 v62, v13  }
0x89: {  	s13 =	simm.s32 $0x8;
	s14 =	simm.s32 $0x4;
	v6 =	vadd.f32 v6, v15;
	v12 =	vld [tilespmem:s10+$0x90]  }
.LBB2_3:
0x8a: {  	p0 =	slt.u32 s13, $0xC4;
	v13 =	vld [tilespmem:s9+$0xA0];
	v4 =	vadd.f32 v8, v4;
	v8 =	vmul.f32 v9, v9;
	v2 =	vsub.f32 v2, v3  }
0x8b: {  	v3 =	vld [tilespmem:s10+$0xA0]  }
0x8c: {  	v9 =	vld [tilespmem:s9+$0xB0];
	v5 =	vadd.f32 v8, v5;
	v2 =	vmul.f32 v2, v2;
	(xrf2) =	vadd.scan.msk.f32 $0xffff, v4  }
0x8d: {  	v4 =	vld [tilespmem:s10+$0xB0]  }
0x8e: {  	v7 =	vsub.f32 v7, v10;
	v8 =	vsub.f32 v11, v12;
	v10 =	vld [tilespmem:s9+$0xC0];
	v11 =	vmov s5  }
0x8f: {  	v2 =	vadd.f32 v2, v6;
	v12 =	vld [tilespmem:s10+$0xC0];
	v11 =	vand.u32 $0xFFFFFFFC, v11;
	(xrf2) =	vadd.scan.msk.f32 $0xffff, v5  }
0x90: {  	s30 =	sadd.s32 $0x1, s5;
	v5 =	vmul.f32 v7, v7;
	v6 =	vmul.f32 v8, v8;
	v3 =	vsub.f32 v13, v3;
	v7 =	vld [tilespmem:s9+$0xD0]  }
0x91: {  	v11 =	vbroadcast v11, $0x0;
	v13 =	vmov s30;
	v8 =	vld [tilespmem:s10+$0xD0]  }
0x92: {  	s30 =	sadd.s32 $0x2, s5;
	s5 =	smov.u32 s14;
	s14 =	smov.u32 s13;
	v5 =	vadd.f32 v6, v5;
	v3 =	vmul.f32 v3, v3;
	v4 =	vsub.f32 v9, v4;
	v6 =	vld [tilespmem:s9+$0xE0];
	(xrf2) =	vadd.scan.msk.f32 $0xffff, v2  }
0x93: {  	v9 =	vand.u32 $0xFFFFFFFD, v13;
	v13 =	vmov s30;
	v2 =	vld [tilespmem:s10+$0xE0]  }
0x94: {  	v3 =	vadd.f32 v3, v5;
	v4 =	vmul.f32 v4, v4;
	v5 =	vsub.f32 v10, v12;
	v10 =	vld [tilespmem:s9+$0xF0]  }
0x95: {  	v9 =	vbroadcast v9, $0x0;
	v13 =	vand.u32 $0xFFFFFFFE, v13;
	v12 =	vld [tilespmem:s10+$0xF0]  }
0x96: {  	v14 =	vld [tilespmem:s10+$0xFFFFFF00];
	v3 =	vadd.f32 v4, v3;
	v4 =	vmul.f32 v5, v5;
	v5 =	vsub.f32 v7, v8;
	v7, _, _ =	vpop (xrf2)  }
0x97: {  	v8 =	vld [tilespmem:s9+$0xFFFFFF10];
	[tilespmem:v11+s26+$0x0] =	vst.idx.msk vm0, v7;
	v7 =	vbroadcast v13, $0x0  }
0x98: {  	v11 =	vld [tilespmem:s10+$0xFFFFFF10];
	v3 =	vadd.f32 v4, v3;
	v4 =	vmul.f32 v5, v5;
	v2 =	vsub.f32 v6, v2  }
0x99: {  	v5 =	vld [tilespmem:s9+$0xFFFFFF80];
	v6, _, _ =	vpop (xrf2)  }
0x9a: {  	v13 =	vld [tilespmem:s10+$0xFFFFFF80];
	v3 =	vadd.f32 v4, v3;
	v2 =	vmul.f32 v2, v2;
	v12 =	vsub.f32 v10, v12  }
0x9b: {  	v10 =	vld [tilespmem:s9+$0xFFFFFF90];
	[tilespmem:v9+s26+$0x0] =	vst.idx.msk vm0, v6  }
0x9c: {  	v6 =	vld [tilespmem:s10+$0xFFFFFF90];
	v2 =	vadd.f32 v2, v3;
	v3 =	vmul.f32 v12, v12;
	v4, _, _ =	vpop (xrf2)  }
0x9d: {  	v8 =	vsub.f32 v8, v11;
	v9 =	vld [tilespmem:s9+$0x0];
	[tilespmem:v7+s26+$0x0] =	vst.idx.msk vm0, v4  }
0x9e: {  	v4 =	vld [tilespmem:s10+$0x0];
	v2 =	vadd.f32 v3, v2  }
0x9f: {  	v3 =	vmul.f32 v8, v8;
	v5 =	vsub.f32 v5, v13;
	v7 =	vld [tilespmem:s9+$0x10]  }
0xa0: {  	v8 =	vld [tilespmem:s10+$0x10];
	(xrf2) =	vadd.scan.msk.f32 $0xffff, v2  }
0xa1: {  	v2 =	vld [tilespmem:s9+$0xFFFFFF00];
	v5 =	vmul.f32 v5, v5;
	v6 =	vsub.f32 v10, v6  }
0xa2: {  	v10 =	vld [tilespmem:s9+$0xFFFFFF20]  }
0xa3: {  	v11 =	vld [tilespmem:s10+$0xFFFFFF20];
	v6 =	vmul.f32 v6, v6;
	v4 =	vsub.f32 v9, v4  }
0xa4: {  	v9 =	vld [tilespmem:s9+$0xFFFFFFA0]  }
0xa5: {  	s30 =	sadd.s32 $0x3, s5;
	v5 =	vadd.f32 v6, v5;
	v6 =	vld [tilespmem:s10+$0xFFFFFFA0];
	v4 =	vmul.f32 v4, v4;
	v7 =	vsub.f32 v7, v8  }
0xa6: {  	v12 =	vmov s30;
	v2 =	vsub.f32 v2, v14;
	v8 =	vld [tilespmem:s9+$0x20]  }
0xa7: {  	v7 =	vmul.f32 v7, v7;
	v13 =	vld [tilespmem:s10+$0x20]  }
0xa8: {  	v2 =	vmul.f32 v2, v2;
	v10 =	vsub.f32 v10, v11;
	v11 =	vld [tilespmem:s9+$0xFFFFFF30]  }
0xa9: {  	v14 =	vld [tilespmem:s10+$0xFFFFFF30];
	v4 =	vadd.f32 v7, v4  }
0xaa: {  	v2 =	vadd.f32 v3, v2;
	v3 =	vmul.f32 v10, v10;
	v6 =	vsub.f32 v9, v6;
	v7 =	vld [tilespmem:s9+$0xFFFFFFB0];
	v9, _, _ =	vpop (xrf2)  }
0xab: {  	v10 =	vld [tilespmem:s10+$0xFFFFFFB0];
	[tilespmem:v12+s26+$0x0] =	vst.idx.msk vm0, v9  }
0xac: {  	v2 =	vadd.f32 v3, v2;
	v3 =	vmul.f32 v6, v6;
	v6 =	vsub.f32 v8, v13;
	v8 =	vld [tilespmem:s9+$0x30]  }
0xad: {  	v9 =	vld [tilespmem:s10+$0x30]  }
0xae: {  	v11 =	vsub.f32 v11, v14;
	v12 =	vld [tilespmem:s9+$0xFFFFFF40];
	v3 =	vadd.f32 v3, v5;
	v5 =	vmul.f32 v6, v6  }
0xaf: {  	v6 =	vld [tilespmem:s10+$0xFFFFFF40]  }
0xb0: {  	v11 =	vmul.f32 v11, v11;
	v7 =	vsub.f32 v7, v10;
	v10 =	vld [tilespmem:s9+$0xFFFFFFC0];
	v4 =	vadd.f32 v5, v4  }
0xb1: {  	v5 =	vld [tilespmem:s10+$0xFFFFFFC0]  }
0xb2: {  	v2 =	vadd.f32 v11, v2;
	v7 =	vmul.f32 v7, v7;
	v8 =	vsub.f32 v8, v9;
	v9 =	vld [tilespmem:s9+$0x40]  }
0xb3: {  	v11 =	vld [tilespmem:s10+$0x40]  }
0xb4: {  	v6 =	vsub.f32 v12, v6;
	v12 =	vld [tilespmem:s9+$0xFFFFFF50];
	v3 =	vadd.f32 v7, v3;
	v7 =	vmul.f32 v8, v8  }
0xb5: {  	v8 =	vld [tilespmem:s10+$0xFFFFFF50]  }
0xb6: {  	v6 =	vmul.f32 v6, v6;
	v5 =	vsub.f32 v10, v5;
	v10 =	vld [tilespmem:s9+$0xFFFFFFD0];
	v4 =	vadd.f32 v7, v4  }
0xb7: {  	v7 =	vld [tilespmem:s10+$0xFFFFFFD0]  }
0xb8: {  	v2 =	vadd.f32 v6, v2;
	v5 =	vmul.f32 v5, v5;
	v6 =	vsub.f32 v9, v11;
	v9 =	vld [tilespmem:s9+$0x50]  }
0xb9: {  	v11 =	vld [tilespmem:s10+$0x50]  }
0xba: {  	v8 =	vsub.f32 v12, v8;
	v12 =	vld [tilespmem:s9+$0xFFFFFF60];
	v3 =	vadd.f32 v5, v3;
	v5 =	vmul.f32 v6, v6  }
0xbb: {  	v6 =	vld [tilespmem:s10+$0xFFFFFF60]  }
0xbc: {  	v8 =	vmul.f32 v8, v8;
	v7 =	vsub.f32 v10, v7;
	v10 =	vld [tilespmem:s9+$0xFFFFFFE0];
	v4 =	vadd.f32 v5, v4  }
0xbd: {  	v5 =	vld [tilespmem:s10+$0xFFFFFFE0]  }
0xbe: {  	v2 =	vadd.f32 v8, v2;
	v7 =	vmul.f32 v7, v7;
	v8 =	vsub.f32 v9, v11;
	v9 =	vld [tilespmem:s9+$0x60]  }
0xbf: {  	v11 =	vld [tilespmem:s10+$0x60]  }
0xc0: {  	v6 =	vsub.f32 v12, v6;
	v12 =	vld [tilespmem:s9+$0xFFFFFF70];
	v13 =	vadd.f32 v7, v3;
	v3 =	vmul.f32 v8, v8  }
0xc1: {  	v8 =	vld [tilespmem:s10+$0xFFFFFF70]  }
0xc2: {  	v6 =	vmul.f32 v6, v6;
	v5 =	vsub.f32 v10, v5;
	v14 =	vld [tilespmem:s9+$0xFFFFFFF0];
	v15 =	vadd.f32 v3, v4  }
0xc3: {  	v16 =	vld [tilespmem:s10+$0xFFFFFFF0]  }
0xc4: {  	v4 =	vadd.f32 v6, v2;
	v5 =	vmul.f32 v5, v5;
	v6 =	vsub.f32 v9, v11;
	v2 =	vld [tilespmem:s9+$0x70]  }
.Ltmp2:
0xc5: {  	s9 =	sadd.s32 $0x200, s9;
	v3 =	vld [tilespmem:s10+$0x70];
	(pc) =	sbr.rel @p0 .LBB2_3-.Ltmp2, $4  }
0xc6: {  	s10 =	sadd.s32 $0x200, s10;
	v7 =	vld [tilespmem:s9+$0x80];
	v8 =	vsub.f32 v12, v8;
	v5 =	vadd.f32 v5, v13;
	v6 =	vmul.f32 v6, v6  }
0xc7: {  	v10 =	vld [tilespmem:s10+$0x80]  }
0xc8: {  	v11 =	vld [tilespmem:s9+$0x90];
	v8 =	vmul.f32 v8, v8;
	v9 =	vsub.f32 v14, v16;
	v6 =	vadd.f32 v6, v15  }
0xc9: {  	s13 =	sadd.s32 $0x4, s13;
	v12 =	vld [tilespmem:s10+$0x90]  }
0xca: {  	v13 =	vld [tilespmem:s9+$0xA0]  }
0xcb: {  	v14 =	vld [tilespmem:s10+$0xA0]  }
0xcc: {  	v15 =	vld [tilespmem:s9+$0xB0]  }
0xcd: {  	v16 =	vld [tilespmem:s10+$0xB0]  }
0xce: {  	v17 =	vld [tilespmem:s9+$0xC0]  }
0xcf: {  	v18 =	vld [tilespmem:s10+$0xC0]  }
0xd0: {  	v19 =	vld [tilespmem:s9+$0xD0]  }
0xd1: {  	v20 =	vld [tilespmem:s10+$0xD0]  }
0xd2: {  	v21 =	vld [tilespmem:s9+$0xE0]  }
0xd3: {  	v22 =	vld [tilespmem:s10+$0xE0]  }
0xd4: {  	v23 =	vld [tilespmem:s9+$0xF0]  }
0xd5: {  	v24 =	vld [tilespmem:s10+$0xF0]  }
0xd6: {  	v25 =	vld [tilespmem:s10+$0xFFFFFF00]  }
0xd7: {  	v26 =	vld [tilespmem:s9+$0xFFFFFF10]  }
0xd8: {  	v27 =	vld [tilespmem:s10+$0xFFFFFF10]  }
0xd9: {  	v28 =	vld [tilespmem:s9+$0xFFFFFF80]  }
0xda: {  	v29 =	vld [tilespmem:s10+$0xFFFFFF80]  }
0xdb: {  	v30 =	vld [tilespmem:s9+$0xFFFFFF90]  }
0xdc: {  	v31 =	vld [tilespmem:s10+$0xFFFFFF90]  }
0xdd: {  	v32 =	vld [tilespmem:s9+$0x0]  }
0xde: {  	v33 =	vld [tilespmem:s10+$0x0]  }
0xdf: {  	v34 =	vld [tilespmem:s9+$0x10]  }
0xe0: {  	v35 =	vld [tilespmem:s10+$0x10]  }
0xe1: {  	v36 =	vld [tilespmem:s9+$0xFFFFFF00]  }
0xe2: {  	v37 =	vld [tilespmem:s9+$0xFFFFFF20]  }
0xe3: {  	v38 =	vld [tilespmem:s10+$0xFFFFFF20]  }
0xe4: {  	v39 =	vld [tilespmem:s9+$0xFFFFFFA0]  }
0xe5: {  	v40 =	vld [tilespmem:s9+$0xFFFFFF30]  }
0xe6: {  	v41 =	vld [tilespmem:s10+$0xFFFFFFB0]  }
0xe7: {  	v2 =	vsub.f32 v2, v3;
	v3 =	vld [tilespmem:s9+$0x30]  }
0xe8: {  	v44 =	vld [tilespmem:s10+$0x30]  }
0xe9: {  	v45 =	vld [tilespmem:s9+$0xFFFFFF40]  }
0xea: {  	v47 =	vld [tilespmem:s10+$0xFFFFFF40]  }
0xeb: {  	v49 =	vld [tilespmem:s10+$0xFFFFFFC0]  }
0xec: {  	v9 =	vmul.f32 v9, v9;
	v51 =	vld [tilespmem:s9+$0x40]  }
0xed: {  	v4 =	vadd.f32 v8, v4;
	v54 =	vld [tilespmem:s10+$0x40];
	v7 =	vsub.f32 v7, v10;
	v2 =	vmul.f32 v2, v2  }
0xee: {  	v57 =	vld [tilespmem:s9+$0xFFFFFF50];
	v5 =	vadd.f32 v9, v5;
	v59 =	vsub.f32 v11, v12  }
0xef: {  	v58 =	vld [tilespmem:s10+$0xFFFFFF50];
	v2 =	vadd.f32 v2, v6;
	v13 =	vsub.f32 v13, v14  }
0xf0: {  	v11 =	vld [tilespmem:s10+$0xFFFFFFA0];
	v61 =	vsub.f32 v15, v16;
	v63 =	vsub.f32 v17, v18  }
0xf1: {  	v12 =	vld [tilespmem:s9+$0x20];
	v43 =	vsub.f32 v19, v20;
	v48 =	vsub.f32 v21, v22  }
0xf2: {  	v6 =	vld [tilespmem:s9+$0xFFFFFFC0];
	v50 =	vsub.f32 v26, v27;
	v52 =	vsub.f32 v28, v29  }
0xf3: {  	v7 =	vmul.f32 v7, v7;
	v14 =	vld [tilespmem:s10+$0x20];
	v53 =	vsub.f32 v30, v31;
	v55 =	vsub.f32 v32, v33  }
0xf4: {  	v15 =	vld [tilespmem:s10+$0xFFFFFF30];
	v56 =	vsub.f32 v34, v35;
	v25 =	vsub.f32 v36, v25;
	v10 =	vmul.f32 v59, v59  }
0xf5: {  	v16 =	vld [tilespmem:s9+$0xFFFFFFB0];
	v3 =	vsub.f32 v3, v44;
	v60 =	vmul.f32 v13, v13;
	v62 =	vmul.f32 v61, v61  }
0xf6: {  	v33 =	vld [tilespmem:s9+$0x50];
	v44 =	vsub.f32 v51, v54;
	v42 =	vmul.f32 v63, v63;
	v46 =	vmul.f32 v43, v43  }
0xf7: {  	v35 =	vld [tilespmem:s10+$0x50];
	v13 =	vsub.f32 v23, v24;
	v22 =	vmul.f32 v52, v52;
	v23 =	vmul.f32 v53, v53  }
0xf8: {  	v61 =	vld [tilespmem:s9+$0xFFFFFFD0];
	v20 =	vmul.f32 v50, v50;
	v25 =	vmul.f32 v25, v25;
	v7 =	vadd.f32 v10, v7  }
0xf9: {  	v9 =	vmul.f32 v48, v48;
	v63 =	vld [tilespmem:s10+$0xFFFFFFD0];
	v10 =	vsub.f32 v45, v47;
	v22 =	vadd.f32 v23, v22  }
0xfa: {  	v59 =	vmul.f32 v55, v55;
	v45 =	vld [tilespmem:s9+$0xFFFFFF70];
	v20 =	vadd.f32 v20, v25;
	v11 =	vsub.f32 v39, v11  }
0xfb: {  	v3 =	vmul.f32 v3, v3;
	v47 =	vld [tilespmem:s10+$0xFFFFFF70];
	v6 =	vsub.f32 v6, v49;
	v7 =	vadd.f32 v60, v7  }
0xfc: {  	v39 =	vld [tilespmem:s9+$0xFFFFFFE0];
	v13 =	vmul.f32 v13, v13;
	v12 =	vsub.f32 v12, v14;
	v36 =	vsub.f32 v40, v15  }
0xfd: {  	v16 =	vsub.f32 v16, v41;
	v40 =	vld [tilespmem:s10+$0xFFFFFFE0];
	v11 =	vmul.f32 v11, v11;
	v7 =	vadd.f32 v62, v7  }
0xfe: {  	v50 =	vld [tilespmem:s10+$0xFFFFFFF0];
	v60 =	vmul.f32 v56, v56;
	v23 =	vsub.f32 v33, v35;
	v62 =	vsub.f32 v37, v38  }
0xff: {  	v49 =	vld [tilespmem:s9+$0xFFFFFFF0];
	v16 =	vmul.f32 v16, v16;
	v11 =	vadd.f32 v11, v22;
	v7 =	vadd.f32 v42, v7  }
0x100: {  	v37 =	vld [tilespmem:s9+$0xFFFFFF60];
	v48 =	vsub.f32 v61, v63;
	v56 =	vsub.f32 v45, v47;
	v34 =	vmul.f32 v62, v62  }
0x101: {  	v10 =	vmul.f32 v10, v10;
	v38 =	vld [tilespmem:s10+$0xFFFFFF60];
	v11 =	vadd.f32 v16, v11;
	v7 =	vadd.f32 v46, v7  }
0x102: {  	v43 =	vld [tilespmem:s10+$0x60];
	v14 =	vmul.f32 v36, v36;
	v55 =	vsub.f32 v39, v40;
	v20 =	vadd.f32 v34, v20  }
0x103: {  	v12 =	vmul.f32 v12, v12;
	v42 =	vld [tilespmem:s9+$0x60];
	v7 =	vadd.f32 v9, v7;
	v9 =	vadd.f32 v60, v59  }
0x104: {  	v54 =	vld [tilespmem:s10+$0x70];
	v6 =	vmul.f32 v6, v6;
	v46 =	vsub.f32 v57, v58;
	v41 =	vadd.f32 v14, v20  }
0x105: {  	v52 =	vld [tilespmem:s9+$0x70];
	v53 =	vmul.f32 v23, v23;
	v57 =	vsub.f32 v49, v50;
	v9 =	vadd.f32 v12, v9  }
0x106: {  	v51 =	vmul.f32 v48, v48;
	v15 =	vsub.f32 v37, v38;
	v10 =	vadd.f32 v10, v41  }
0x107: {  	v12 =	vmul.f32 v46, v46;
	v3 =	vadd.f32 v3, v9;
	v9 =	vmul.f32 v44, v44  }
0x108: {  	v58 =	vmul.f32 v56, v56;
	v6 =	vadd.f32 v6, v11;
	v8 =	vsub.f32 v42, v43  }
0x109: {  	v15 =	vmul.f32 v15, v15;
	v10 =	vadd.f32 v12, v10;
	v3 =	vadd.f32 v9, v3  }
0x10a: {  	v11 =	vsub.f32 v52, v54;
	v6 =	vadd.f32 v51, v6;
	v9 =	vmul.f32 v55, v55  }
0x10b: {  	(xrf2) =	vadd.scan.msk.f32 $0xffff, v4;
	v4 =	vmul.f32 v8, v8;
	v10 =	vadd.f32 v15, v10;
	v3 =	vadd.f32 v53, v3  }
0x10c: {  	(xrf2) =	vadd.scan.msk.f32 $0xffff, v5;
	v5 =	vadd.f32 v13, v7;
	v7 =	vmul.f32 v57, v57;
	v6 =	vadd.f32 v9, v6  }
0x10d: {  	(xrf2) =	vadd.scan.msk.f32 $0xffff, v2;
	v2 =	vadd.f32 v4, v3;
	v3 =	vadd.f32 v58, v10;
	v4 =	vmul.f32 v11, v11  }
0x10e: {  	s30 =	sadd.s32 $0x1, s5;
	v59 =	vmov s5;
	(xrf2) =	vadd.scan.msk.f32 $0xffff, v5;
	v5 =	vadd.f32 v7, v6  }
0x10f: {  	s9 =	sadd.s32 $0x2, s5;
	v6 =	vand.u32 $0xFFFFFFFC, v59;
	v7 =	vmov s30;
	(xrf2) =	vadd.scan.msk.f32 $0xffff, v3;
	v2 =	vadd.f32 v4, v2  }
0x110: {  	v3 =	vbroadcast v6, $0x0;
	v4 =	vand.u32 $0xFFFFFFFD, v7;
	v6 =	vmov s9;
	(xrf2) =	vadd.scan.msk.f32 $0xffff, v5  }
0x111: {  	v4 =	vbroadcast v4, $0x0;
	v5 =	vand.u32 $0xFFFFFFFE, v6;
	(xrf2) =	vadd.scan.msk.f32 $0xffff, v2  }
0x112: {  	s13 =	sadd.s32 $0x1, s14;
	s30 =	sadd.s32 $0x2, s14;
	v2 =	vbroadcast v5, $0x0;
	v5 =	vmov s14  }
0x113: {  	s10 =	sadd.s32 $0x3, s14;
	v60 =	vmov s30;
	v7 =	vmov s13;
	v5 =	vand.u32 $0xFFFFFFFC, v5  }
0x114: {  	v6 =	vmov s10;
	v7 =	vand.u32 $0xFFFFFFFD, v7;
	v5 =	vbroadcast v5, $0x0  }
0x115: {  	v61, _, _ =	vpop (xrf2);
	v8 =	vand.u32 $0xFFFFFFFE, v60;
	v7 =	vbroadcast v7, $0x0  }
0x116: {  	v62, _, _ =	vpop (xrf2);
	[tilespmem:v3+s26+$0x0] =	vst.idx.msk vm0, v61;
	v3 =	vbroadcast v8, $0x0  }
0x117: {  	v63, _, _ =	vpop (xrf2);
	[tilespmem:v4+s26+$0x0] =	vst.idx.msk vm0, v62  }
0x118: {  	v4, _, _ =	vpop (xrf2);
	[tilespmem:v2+s26+$0x0] =	vst.idx.msk vm0, v63  }
0x119: {  	[tilespmem:v6+s26+$0x0] =	vst.idx.msk vm0, v4;
	v2, _, _ =	vpop (xrf2)  }
0x11a: {  	[tilespmem:v5+s26+$0x0] =	vst.idx.msk vm0, v2;
	v2, _, _ =	vpop (xrf2)  }
0x11b: {  	[tilespmem:v7+s26+$0x0] =	vst.idx.msk vm0, v2;
	v2, _, _ =	vpop (xrf2)  }
0x11c: {  	s5 =	simm.s32 $0x1A420;
	[tilespmem:v3+s26+$0x0] =	vst.idx.msk vm0, v2  }
0x11d: {  	p2 =	por $0x1, $0x1;
	v5 =	vld [tilespmem:s5+$0xFFFFFFF0]  }
.Ltmp3:
0x11e: {  	_ = 	snop;
	(pc) =	sbr.rel @!p2 .LBB2_5-.Ltmp3, $4  }
0x11f: {  	_ = 	snop  }
0x120: {  	v2 =	vld [tilespmem:s5+$0x0]  }
0x121: {  	v3 =	vld [tilespmem:s5+$0xFFFFFFE0]  }
0x122: {  	p0 =	por $0x0, $0x0;
	p1 =	por $0x0, $0x0;
	s10 =	simm.s32 $0x1A460;
	v4 =	vld [tilespmem:s5+$0x10];
	v5 =	vmul.f32 v5, v1  }
0x123: {  	_ =	sdelay $0x1  }
0x124: {  	v2 =	vmul.f32 v2, v1  }
0x125: {  	v5 =	vmul.f32 $1.442695020e+00, v5  }
0x126: {  	v8 =	vmul.f32 $1.442695020e+00, v2  }
0x127: {  	(erf) = vpow2.f32 v5  }
0x128: {  	(erf) = vpow2.f32 v8  }
0x129: {  	v7 =	vld [tilespmem:s10+$0xFFFFFFF0];
	p2 =	por $0x1, $0x1  }
.Ltmp4:
0x12a: {  	_ = 	snop;
	(pc) =	sbr.rel @!p2 .LBB2_7-.Ltmp4, $4  }
0x12b: {  	v6 =	vmul.f32 v3, v1  }
0x12c: {  	v3 =	vld [tilespmem:s10+$0xFFFFFFE0];
	v9 =	vmul.f32 v4, v1  }
0x12d: {  	v2 =	vld [tilespmem:s10+$0x0];
	v6 =	vmul.f32 $1.442695020e+00, v6  }
0x12e: {  	s9 =	simm.s32 $0x1A4A0;
	p0 =	por $0x1, $0x1;
	v4 =	vld [tilespmem:s10+$0x10];
	v5 =	vmul.f32 v7, v1;
	v7 =	vmul.f32 $1.442695020e+00, v9  }
0x12f: {  	_ =	sdelay $0x2  }
0x130: {  	v2 =	vmul.f32 v2, v1  }
0x131: {  	v8 =	vld [tilespmem:s9+$0xFFFFFFF0];
	(erf) = vpow2.f32 v6;
	p2 =	por $0x0, $0x0;
	v5 =	vmul.f32 $1.442695020e+00, v5  }
.Ltmp5:
0x132: {  	(erf) = vpow2.f32 v7;
	v7 =	vmul.f32 $1.442695020e+00, v2;
	(pc) =	sbr.rel @!p2 .LBB2_9-.Ltmp5, $4  }
0x133: {  	v6 =	vmul.f32 v3, v1;
	(erf) = vpow2.f32 v5;
	v2 =	vld [tilespmem:s9+$0x0]  }
0x134: {  	v9 =	vmul.f32 v4, v1;
	(erf) = vpow2.f32 v7  }
0x135: {  	v3 =	vld [tilespmem:s9+$0xFFFFFFE0];
	v6 =	vmul.f32 $1.442695020e+00, v6  }
0x136: {  	s13 =	simm.s32 $0x8;
	s14 =	simm.s32 $0x1A4E0;
	p1 =	por $0x1, $0x1;
	v4 =	vld [tilespmem:s9+$0x10];
	v5 =	vmul.f32 v8, v1;
	v7 =	vmul.f32 $1.442695020e+00, v9  }
.LBB2_10:
0x137: {  	s13 =	sadd.s32 $0x4, s13  }
0x138: {  	v8 =	vld [tilespmem:s14+$0xFFFFFFF0];
	v9 =	vmul.f32 v2, v1;
	(erf) = vpow2.f32 v6;
	v6 =	vpop (erf);
	s30 =	smov.u32 s9;
	s9 =	smov.u32 s14;
	p2 =	slt.u32 s13, $0x8  }
.Ltmp6:
0x139: {  	v2 =	vld [tilespmem:s14+$0x0];
	v11 =	vmul.f32 $1.442695020e+00, v5;
	(erf) = vpow2.f32 v7;
	[tilespmem:s5+$0xFFFFFFF0] =	vst v6;
	v6 =	vpop (erf);
	(pc) =	sbr.rel @p2 .LBB2_10-.Ltmp6, $4  }
0x13a: {  	v7 =	vmul.f32 v3, v1;
	v3 =	vld [tilespmem:s14+$0xFFFFFFE0];
	v12 =	vmul.f32 $1.442695020e+00, v9;
	[tilespmem:s5+$0x0] =	vst v6  }
0x13b: {  	v10 =	vmul.f32 v4, v1;
	v4 =	vld [tilespmem:s14+$0x10];
	(erf) = vpow2.f32 v11;
	v5 =	vpop (erf)  }
0x13c: {  	v6 =	vmul.f32 $1.442695020e+00, v7;
	(erf) = vpow2.f32 v12;
	[tilespmem:s5+$0xFFFFFFE0] =	vst v5;
	v9 =	vpop (erf)  }
0x13d: {  	s14 =	sadd.s32 $0x40, s14;
	v7 =	vmul.f32 $1.442695020e+00, v10;
	v5 =	vmul.f32 v8, v1;
	[tilespmem:s5+$0x10] =	vst v9;
	s5 =	smov.u32 s10;
	s10 =	smov.u32 s30  }
0x13e: {  	s13 =	smov.u32 s5;
	s5 =	smov.u32 s10  }
.LBB2_12:
0x13f: {  	v2 =	vmul.f32 v2, v1  }
0x140: {  	(erf) = vpow2.f32 @p0 v6;
	v5 =	vmul.f32 $1.442695020e+00, v5  }
0x141: {  	v3 =	vmul.f32 v3, v1;
	(erf) = vpow2.f32 @p0 v7  }
0x142: {  	v4 =	vmul.f32 v4, v1;
	v2 =	vmul.f32 $1.442695020e+00, v2  }
0x143: {  	(erf) = vpow2.f32 v5;
	v3 =	vmul.f32 $1.442695020e+00, v3  }
0x144: {  	v5 =	vpop @p1 (erf);
	(erf) = vpow2.f32 v2;
	v2 =	vmul.f32 $1.442695020e+00, v4;
	_ =	sdelay $0x1  }
0x145: {  	[tilespmem:s13+$0xFFFFFFF0] =	vst @p1 v5;
	v4 =	vpop @p1 (erf);
	(erf) = vpow2.f32 v3  }
0x146: {  	[tilespmem:s13+$0x0] =	vst @p1 v4;
	v3 =	vpop @p1 (erf);
	(erf) = vpow2.f32 v2  }
0x147: {  	[tilespmem:s13+$0xFFFFFFE0] =	vst @p1 v3;
	v2 =	vpop @p1 (erf)  }
0x148: {  	s5 =	smov.u32 @p0 s5;
	v3 =	vpop @p0 (erf);
	[tilespmem:s13+$0x10] =	vst @p1 v2  }
0x149: {  	[tilespmem:s5+$0xFFFFFFF0] =	vst @p0 v3;
	v2 =	vpop @p0 (erf)  }
0x14a: {  	[tilespmem:s5+$0x0] =	vst @p0 v2;
	v2 =	vpop @p0 (erf)  }
0x14b: {  	[tilespmem:s5+$0xFFFFFFE0] =	vst @p0 v2;
	v2 =	vpop @p0 (erf)  }
0x14c: {  	[tilespmem:s5+$0x10] =	vst @p0 v2;
	v2 =	vpop (erf)  }
0x14d: {  	[tilespmem:s9+$0xFFFFFFF0] =	vst v2;
	v2 =	vpop (erf)  }
0x14e: {  	[tilespmem:s9+$0x0] =	vst v2;
	v2 =	vpop (erf)  }
0x14f: {  	[tilespmem:s9+$0xFFFFFFE0] =	vst v2;
	v2 =	vpop (erf)  }
0x150: {  	[tilespmem:s9+$0x10] =	vst v2  }
0x151: {  	v2 =	vld [tilespmem:$0x1A4C0];
	_ =	sdelay $0x4  }
0x152: {  	v2 =	vmul.f32 v2, v1;
	_ =	sdelay $0x1  }
0x153: {  	v2 =	vmul.f32 $1.442695020e+00, v2;
	_ =	sdelay $0x1  }
0x154: {  	(erf) = vpow2.f32 v2;
	_ =	sdelay $0x7  }
0x155: {  	s1 =	sadd.s32 s8, s1;
	s9 =	sshll.u32 s31, $0x1  }
0x156: {  	s1 =	sshrl.u32 s1, $0x3;
	s5 =	smin.u32 s9, $0x2F;
	v2 =	vpop (erf)  }
0x157: {  	s10 =	sadd.s32 s6, s1;
	s1 =	simm.s32 $0x0;
	s5 =	smul.u32 $0xC8, s5;
	[tilespmem:$0x1A4C0] =	vst v2  }
0x158: {  	[hbm4b:s10+s1] =	stream.linear.scatter [tilespmem:s26], [sflag:$0x5], $0xC8, $0x38;
	[tilespmem:$0x1A580] =	vst v63  }
0x159: {  	s5 =	sadd.s32 s5, s12;
	_ =	swait.ge [sflag:s15], $0xC8  }
0x15a: {  	s5 =	sshrl.u32 s5, $0x3;
	[sflag:s15] =	ssyncset.done $0x0  }
0x15b: {  	s13 =	sadd.s32 s2, s5;
	[sflag:s15] =	ssyncadd.s32 $0xFFFFFF38  }
0x15c: {  	[tilespmem:s1], [sflag:$0x5] =	stream.linear.gather [hbm4b:s13+s1], $0xC8, $0x38;
	[tilespmem:$0x1A580] =	vst v63  }
0x15d: {  	_ =	swait.ge [sflag:s15], $0xC8  }
0x15e: {  	[sflag:s15] =	ssyncset.done $0x0  }
0x15f: {  	s5 =	sadd.s32 s3, s5;
	[sflag:s15] =	ssyncadd.s32 $0xFFFFFF38  }
0x160: {  	[tilespmem:s16], [sflag:$0x5] =	stream.linear.gather [hbm4b:s5+s1], $0xC8, $0x38;
	[tilespmem:$0x1A580] =	vst v63  }
0x161: {  	_ =	swait.ge [sflag:s15], $0xC8  }
0x162: {  	[sflag:s15] =	ssyncset.done $0x0  }
0x163: {  	[sflag:s15] =	ssyncadd.s32 $0xFFFFFF38  }
0x164: {  	[tilespmem:s18], [sflag:$0x1] =	stream.indirect.gather [hbm4b:s0+s17], $0x80, s1, s17, $0xb8;
	[tilespmem:$0x1A580] =	vst v63  }
0x165: {  	_ = 	snop  }
0x166: {  	[tilespmem:s19], [sflag:$0x2] =	stream.indirect.gather [hbm4b:s0+s17], $0x80, s16, s17, $0xb8;
	[tilespmem:$0x1A580] =	vst v63  }
0x167: {  	_ =	swait.ge [sflag:s28], $0x6800  }
0x168: {  	[sflag:s28] =	ssyncset.done $0x0  }
0x169: {  	[sflag:s28] =	ssyncadd.s32 $0xFFFF9800  }
0x16a: {  	_ =	swait.ge [sflag:s29], $0x6800  }
0x16b: {  	[sflag:s29] =	ssyncset.done $0x0  }
0x16c: {  	s14 =	simm.s32 $0xD500;
	[sflag:s29] =	ssyncadd.s32 $0xFFFF9800  }
0x16d: {  	s30 =	simm.s32 $0x13D00;
	v2 =	vld [tilespmem:s14+$0x80]  }
0x16e: {  	v3 =	vld [tilespmem:s30+$0x80]  }
0x16f: {  	v4 =	vld [tilespmem:s14+$0x90]  }
0x170: {  	v5 =	vld [tilespmem:s30+$0x90]  }
0x171: {  	v6 =	vld [tilespmem:s14+$0xA0]  }
0x172: {  	v7 =	vld [tilespmem:s30+$0xA0]  }
0x173: {  	v8 =	vld [tilespmem:s14+$0xB0]  }
0x174: {  	v9 =	vld [tilespmem:s30+$0xB0]  }
0x175: {  	v10 =	vld [tilespmem:s14+$0xC0]  }
0x176: {  	v11 =	vld [tilespmem:s30+$0xC0]  }
0x177: {  	v12 =	vld [tilespmem:s14+$0xD0]  }
0x178: {  	v13 =	vld [tilespmem:s30+$0xD0]  }
0x179: {  	v14 =	vld [tilespmem:s14+$0xE0]  }
0x17a: {  	v15 =	vld [tilespmem:s30+$0xE0]  }
0x17b: {  	v16 =	vld [tilespmem:s14+$0xF0]  }
0x17c: {  	v17 =	vld [tilespmem:s30+$0xF0]  }
0x17d: {  	v18 =	vld [tilespmem:s30+$0xFFFFFF00]  }
0x17e: {  	v19 =	vld [tilespmem:s14+$0xFFFFFF10]  }
0x17f: {  	v20 =	vld [tilespmem:s30+$0xFFFFFF10]  }
0x180: {  	v21 =	vld [tilespmem:s14+$0xFFFFFF80]  }
0x181: {  	v22 =	vld [tilespmem:s30+$0xFFFFFF80]  }
0x182: {  	v23 =	vld [tilespmem:s14+$0xFFFFFF90]  }
0x183: {  	v24 =	vld [tilespmem:s30+$0xFFFFFF90]  }
0x184: {  	v25 =	vld [tilespmem:s14+$0x0]  }
0x185: {  	v26 =	vld [tilespmem:s30+$0x0]  }
0x186: {  	v27 =	vld [tilespmem:s14+$0x10]  }
0x187: {  	v28 =	vld [tilespmem:s30+$0x10]  }
0x188: {  	v29 =	vld [tilespmem:s14+$0xFFFFFF00]  }
0x189: {  	v30 =	vld [tilespmem:s14+$0xFFFFFF20]  }
0x18a: {  	v31 =	vld [tilespmem:s14+$0x20]  }
0x18b: {  	v48 =	vld [tilespmem:s30+$0xFFFFFF40]  }
0x18c: {  	v51 =	vld [tilespmem:s14+$0xFFFFFFC0]  }
0x18d: {  	v53 =	vld [tilespmem:s14+$0x40]  }
0x18e: {  	v54 =	vld [tilespmem:s30+$0x40]  }
0x18f: {  	v55 =	vld [tilespmem:s14+$0xFFFFFF50];
	v2 =	vsub.f32 v2, v3;
	v3 =	vsub.f32 v4, v5  }
0x190: {  	v57 =	vld [tilespmem:s30+$0xFFFFFF50]  }
0x191: {  	v58 =	vld [tilespmem:s30+$0xFFFFFFD0];
	v6 =	vsub.f32 v6, v7;
	v2 =	vmul.f32 v2, v2;
	v3 =	vmul.f32 v3, v3  }
0x192: {  	v4 =	vld [tilespmem:s30+$0xFFFFFF20]  }
0x193: {  	v5 =	vld [tilespmem:s14+$0xFFFFFFA0];
	v2 =	vadd.f32 v3, v2;
	v3 =	vmul.f32 v6, v6;
	v6 =	vsub.f32 v8, v9  }
0x194: {  	v7 =	vld [tilespmem:s30+$0xFFFFFFA0];
	v49 =	vsub.f32 v21, v22;
	v50 =	vsub.f32 v23, v24  }
0x195: {  	v8 =	vld [tilespmem:s30+$0x20];
	v2 =	vadd.f32 v3, v2;
	v3 =	vmul.f32 v6, v6;
	v6 =	vsub.f32 v10, v11  }
0x196: {  	v19 =	vsub.f32 v19, v20;
	v18 =	vsub.f32 v29, v18;
	v9 =	vld [tilespmem:s14+$0xFFFFFF30]  }
0x197: {  	v10 =	vld [tilespmem:s30+$0xFFFFFF30];
	v2 =	vadd.f32 v3, v2;
	v3 =	vmul.f32 v6, v6;
	v6 =	vsub.f32 v12, v13  }
0x198: {  	v56 =	vsub.f32 v27, v28;
	v52 =	vmul.f32 v50, v50;
	v19 =	vmul.f32 v19, v19;
	v11 =	vld [tilespmem:s14+$0xFFFFFFB0]  }
0x199: {  	v12 =	vld [tilespmem:s30+$0xFFFFFFB0];
	v2 =	vadd.f32 v3, v2;
	v3 =	vmul.f32 v6, v6;
	v6 =	vsub.f32 v14, v15  }
0x19a: {  	v18 =	vmul.f32 v18, v18;
	v24 =	vmul.f32 v56, v56;
	v4 =	vsub.f32 v30, v4;
	v13 =	vld [tilespmem:s14+$0x30]  }
0x19b: {  	v14 =	vld [tilespmem:s30+$0x30];
	v2 =	vadd.f32 v3, v2;
	v3 =	vmul.f32 v6, v6;
	v6 =	vsub.f32 v16, v17  }
0x19c: {  	v18 =	vadd.f32 v19, v18;
	v5 =	vsub.f32 v5, v7;
	v4 =	vmul.f32 v4, v4;
	v15 =	vld [tilespmem:s14+$0xFFFFFF40]  }
0x19d: {  	v59 =	vld [tilespmem:s14+$0x50];
	v8 =	vsub.f32 v31, v8;
	v2 =	vadd.f32 v3, v2;
	v3 =	vmul.f32 v6, v6  }
0x19e: {  	v4 =	vadd.f32 v4, v18;
	v9 =	vsub.f32 v9, v10;
	v17 =	vmul.f32 v49, v49;
	v6 =	vld [tilespmem:s30+$0xFFFFFFC0]  }
0x19f: {  	v60 =	vld [tilespmem:s14+$0xFFFFFF60];
	v5 =	vmul.f32 v5, v5;
	v2 =	vadd.f32 v3, v2;
	v3 =	vsub.f32 v25, v26  }
0x1a0: {  	v7 =	vld [tilespmem:s14+$0xFFFFFFD0];
	v11 =	vsub.f32 v11, v12;
	v9 =	vmul.f32 v9, v9;
	v17 =	vadd.f32 v52, v17  }
0x1a1: {  	v10 =	vld [tilespmem:s30+$0x50];
	v12 =	vsub.f32 v13, v14;
	v13 =	vsub.f32 v15, v48;
	v3 =	vmul.f32 v3, v3  }
0x1a2: {  	v8 =	vmul.f32 v8, v8;
	v14 =	vld [tilespmem:s14+$0xFFFFFFE0];
	v5 =	vadd.f32 v5, v17;
	(xrf2) =	vadd.scan.msk.f32 $0xffff, v2;
	v2 =	vadd.f32 v9, v4  }
0x1a3: {  	v15 =	vld [tilespmem:s14+$0x60];
	v4 =	vmul.f32 v11, v11;
	v6 =	vsub.f32 v51, v6;
	v3 =	vadd.f32 v24, v3  }
0x1a4: {  	v9 =	vld [tilespmem:s30+$0xFFFFFFE0];
	v11 =	vmul.f32 v12, v12  }
0x1a5: {  	v4 =	vadd.f32 v4, v5;
	v5 =	vmul.f32 v6, v6;
	v3 =	vadd.f32 v8, v3;
	v8 =	vld [tilespmem:s30+$0xFFFFFF60]  }
0x1a6: {  	s10 =	simm.s32 $0x3;
	v7 =	vsub.f32 v7, v58;
	v12 =	vmul.f32 v13, v13;
	v13 =	vsub.f32 v53, v54;
	v6 =	vld [tilespmem:s30+$0x60]  }
0x1a7: {  	v63 =	vmov s10;
	v4 =	vadd.f32 v5, v4;
	v5 =	vld [tilespmem:s30+$0xFFFFFF70];
	v3 =	vadd.f32 v11, v3  }
0x1a8: {  	v11 =	vadd.f32 v12, v2;
	v2 =	vmul.f32 v13, v13;
	v12 =	vld [tilespmem:s14+$0xFFFFFF70];
	v13 =	vsub.f32 v55, v57  }
0x1a9: {  	v62 =	vld [tilespmem:s14+$0xFFFFFFF0];
	v7 =	vmul.f32 v7, v7;
	v10 =	vsub.f32 v59, v10;
	v9 =	vsub.f32 v14, v9  }
0x1aa: {  	v61 =	vadd.f32 v2, v3;
	v3 =	vmul.f32 v13, v13;
	v13 =	vld [tilespmem:s30+$0xFFFFFFF0];
	v8 =	vsub.f32 v60, v8  }
0x1ab: {  	v10 =	vmul.f32 v10, v10;
	v14 =	vadd.f32 v7, v4;
	v2 =	vld [tilespmem:s14+$0x70]  }
0x1ac: {  	s9 =	simm.s32 $0xD700;
	v6 =	vsub.f32 v15, v6;
	v11 =	vadd.f32 v3, v11;
	v3 =	vld [tilespmem:s30+$0x70];
	v4 =	vmul.f32 v8, v8  }
0x1ad: {  	s10 =	simm.s32 $0x13F00;
	v7 =	vld [tilespmem:s9+$0x80];
	v15 =	vadd.f32 v10, v61;
	v8 =	vmul.f32 v9, v9;
	v9, _, _ =	vpop (xrf2);
	v12 =	vsub.f32 v12, v5  }
0x1ae: {  	v6 =	vmul.f32 v6, v6;
	v10 =	vld [tilespmem:s10+$0x80];
	[tilespmem:v63+s26+$0x0] =	vst.idx.msk vm0, v9;
	v4 =	vadd.f32 v4, v11  }
0x1af: {  	v5 =	vadd.f32 v8, v14;
	v11 =	vld [tilespmem:s9+$0x90];
	v8 =	vmul.f32 v12, v12;
	v9 =	vsub.f32 v62, v13  }
0x1b0: {  	s13 =	simm.s32 $0x8;
	s5 =	simm.s32 $0x4;
	v6 =	vadd.f32 v6, v15;
	v12 =	vld [tilespmem:s10+$0x90]  }
.LBB2_13:
0x1b1: {  	p0 =	slt.u32 s13, $0xC4;
	v13 =	vld [tilespmem:s9+$0xA0];
	v4 =	vadd.f32 v8, v4;
	v8 =	vmul.f32 v9, v9;
	v2 =	vsub.f32 v2, v3  }
0x1b2: {  	v3 =	vld [tilespmem:s10+$0xA0]  }
0x1b3: {  	v9 =	vld [tilespmem:s9+$0xB0];
	v5 =	vadd.f32 v8, v5;
	v2 =	vmul.f32 v2, v2;
	(xrf2) =	vadd.scan.msk.f32 $0xffff, v4  }
0x1b4: {  	v4 =	vld [tilespmem:s10+$0xB0]  }
0x1b5: {  	v7 =	vsub.f32 v7, v10;
	v8 =	vsub.f32 v11, v12;
	v10 =	vld [tilespmem:s9+$0xC0];
	v11 =	vmov s1  }
0x1b6: {  	v2 =	vadd.f32 v2, v6;
	v12 =	vld [tilespmem:s10+$0xC0];
	v11 =	vand.u32 $0xFFFFFFFC, v11;
	(xrf2) =	vadd.scan.msk.f32 $0xffff, v5  }
0x1b7: {  	s14 =	sadd.s32 $0x1, s1;
	v5 =	vmul.f32 v7, v7;
	v6 =	vmul.f32 v8, v8;
	v3 =	vsub.f32 v13, v3;
	v7 =	vld [tilespmem:s9+$0xD0]  }
0x1b8: {  	v11 =	vbroadcast v11, $0x0;
	v13 =	vmov s14;
	v8 =	vld [tilespmem:s10+$0xD0]  }
0x1b9: {  	s14 =	sadd.s32 $0x2, s1;
	s1 =	smov.u32 s5;
	s5 =	smov.u32 s13;
	v5 =	vadd.f32 v6, v5;
	v3 =	vmul.f32 v3, v3;
	v4 =	vsub.f32 v9, v4;
	v6 =	vld [tilespmem:s9+$0xE0];
	(xrf2) =	vadd.scan.msk.f32 $0xffff, v2  }
0x1ba: {  	v9 =	vand.u32 $0xFFFFFFFD, v13;
	v13 =	vmov s14;
	v2 =	vld [tilespmem:s10+$0xE0]  }
0x1bb: {  	v3 =	vadd.f32 v3, v5;
	v4 =	vmul.f32 v4, v4;
	v5 =	vsub.f32 v10, v12;
	v10 =	vld [tilespmem:s9+$0xF0]  }
0x1bc: {  	v9 =	vbroadcast v9, $0x0;
	v13 =	vand.u32 $0xFFFFFFFE, v13;
	v12 =	vld [tilespmem:s10+$0xF0]  }
0x1bd: {  	v14 =	vld [tilespmem:s10+$0xFFFFFF00];
	v3 =	vadd.f32 v4, v3;
	v4 =	vmul.f32 v5, v5;
	v5 =	vsub.f32 v7, v8;
	v7, _, _ =	vpop (xrf2)  }
0x1be: {  	v8 =	vld [tilespmem:s9+$0xFFFFFF10];
	[tilespmem:v11+s26+$0x0] =	vst.idx.msk vm0, v7;
	v7 =	vbroadcast v13, $0x0  }
0x1bf: {  	v11 =	vld [tilespmem:s10+$0xFFFFFF10];
	v3 =	vadd.f32 v4, v3;
	v4 =	vmul.f32 v5, v5;
	v2 =	vsub.f32 v6, v2  }
0x1c0: {  	v5 =	vld [tilespmem:s9+$0xFFFFFF80];
	v6, _, _ =	vpop (xrf2)  }
0x1c1: {  	v13 =	vld [tilespmem:s10+$0xFFFFFF80];
	v3 =	vadd.f32 v4, v3;
	v2 =	vmul.f32 v2, v2;
	v12 =	vsub.f32 v10, v12  }
0x1c2: {  	v10 =	vld [tilespmem:s9+$0xFFFFFF90];
	[tilespmem:v9+s26+$0x0] =	vst.idx.msk vm0, v6  }
0x1c3: {  	v6 =	vld [tilespmem:s10+$0xFFFFFF90];
	v2 =	vadd.f32 v2, v3;
	v3 =	vmul.f32 v12, v12;
	v4, _, _ =	vpop (xrf2)  }
0x1c4: {  	v8 =	vsub.f32 v8, v11;
	v9 =	vld [tilespmem:s9+$0x0];
	[tilespmem:v7+s26+$0x0] =	vst.idx.msk vm0, v4  }
0x1c5: {  	v4 =	vld [tilespmem:s10+$0x0];
	v2 =	vadd.f32 v3, v2  }
0x1c6: {  	v3 =	vmul.f32 v8, v8;
	v5 =	vsub.f32 v5, v13;
	v7 =	vld [tilespmem:s9+$0x10]  }
0x1c7: {  	v8 =	vld [tilespmem:s10+$0x10];
	(xrf2) =	vadd.scan.msk.f32 $0xffff, v2  }
0x1c8: {  	v2 =	vld [tilespmem:s9+$0xFFFFFF00];
	v5 =	vmul.f32 v5, v5;
	v6 =	vsub.f32 v10, v6  }
0x1c9: {  	v10 =	vld [tilespmem:s9+$0xFFFFFF20]  }
0x1ca: {  	v11 =	vld [tilespmem:s10+$0xFFFFFF20];
	v6 =	vmul.f32 v6, v6;
	v4 =	vsub.f32 v9, v4  }
0x1cb: {  	v9 =	vld [tilespmem:s9+$0xFFFFFFA0]  }
0x1cc: {  	s14 =	sadd.s32 $0x3, s1;
	v5 =	vadd.f32 v6, v5;
	v6 =	vld [tilespmem:s10+$0xFFFFFFA0];
	v4 =	vmul.f32 v4, v4;
	v7 =	vsub.f32 v7, v8  }
0x1cd: {  	v12 =	vmov s14;
	v2 =	vsub.f32 v2, v14;
	v8 =	vld [tilespmem:s9+$0x20]  }
0x1ce: {  	v7 =	vmul.f32 v7, v7;
	v13 =	vld [tilespmem:s10+$0x20]  }
0x1cf: {  	v2 =	vmul.f32 v2, v2;
	v10 =	vsub.f32 v10, v11;
	v11 =	vld [tilespmem:s9+$0xFFFFFF30]  }
0x1d0: {  	v14 =	vld [tilespmem:s10+$0xFFFFFF30];
	v4 =	vadd.f32 v7, v4  }
0x1d1: {  	v2 =	vadd.f32 v3, v2;
	v3 =	vmul.f32 v10, v10;
	v6 =	vsub.f32 v9, v6;
	v7 =	vld [tilespmem:s9+$0xFFFFFFB0];
	v9, _, _ =	vpop (xrf2)  }
0x1d2: {  	v10 =	vld [tilespmem:s10+$0xFFFFFFB0];
	[tilespmem:v12+s26+$0x0] =	vst.idx.msk vm0, v9  }
0x1d3: {  	v2 =	vadd.f32 v3, v2;
	v3 =	vmul.f32 v6, v6;
	v6 =	vsub.f32 v8, v13;
	v8 =	vld [tilespmem:s9+$0x30]  }
0x1d4: {  	v9 =	vld [tilespmem:s10+$0x30]  }
0x1d5: {  	v11 =	vsub.f32 v11, v14;
	v12 =	vld [tilespmem:s9+$0xFFFFFF40];
	v3 =	vadd.f32 v3, v5;
	v5 =	vmul.f32 v6, v6  }
0x1d6: {  	v6 =	vld [tilespmem:s10+$0xFFFFFF40]  }
0x1d7: {  	v11 =	vmul.f32 v11, v11;
	v7 =	vsub.f32 v7, v10;
	v10 =	vld [tilespmem:s9+$0xFFFFFFC0];
	v4 =	vadd.f32 v5, v4  }
0x1d8: {  	v5 =	vld [tilespmem:s10+$0xFFFFFFC0]  }
0x1d9: {  	v2 =	vadd.f32 v11, v2;
	v7 =	vmul.f32 v7, v7;
	v8 =	vsub.f32 v8, v9;
	v9 =	vld [tilespmem:s9+$0x40]  }
0x1da: {  	v11 =	vld [tilespmem:s10+$0x40]  }
0x1db: {  	v6 =	vsub.f32 v12, v6;
	v12 =	vld [tilespmem:s9+$0xFFFFFF50];
	v3 =	vadd.f32 v7, v3;
	v7 =	vmul.f32 v8, v8  }
0x1dc: {  	v8 =	vld [tilespmem:s10+$0xFFFFFF50]  }
0x1dd: {  	v6 =	vmul.f32 v6, v6;
	v5 =	vsub.f32 v10, v5;
	v10 =	vld [tilespmem:s9+$0xFFFFFFD0];
	v4 =	vadd.f32 v7, v4  }
0x1de: {  	v7 =	vld [tilespmem:s10+$0xFFFFFFD0]  }
0x1df: {  	v2 =	vadd.f32 v6, v2;
	v5 =	vmul.f32 v5, v5;
	v6 =	vsub.f32 v9, v11;
	v9 =	vld [tilespmem:s9+$0x50]  }
0x1e0: {  	v11 =	vld [tilespmem:s10+$0x50]  }
0x1e1: {  	v8 =	vsub.f32 v12, v8;
	v12 =	vld [tilespmem:s9+$0xFFFFFF60];
	v3 =	vadd.f32 v5, v3;
	v5 =	vmul.f32 v6, v6  }
0x1e2: {  	v6 =	vld [tilespmem:s10+$0xFFFFFF60]  }
0x1e3: {  	v8 =	vmul.f32 v8, v8;
	v7 =	vsub.f32 v10, v7;
	v10 =	vld [tilespmem:s9+$0xFFFFFFE0];
	v4 =	vadd.f32 v5, v4  }
0x1e4: {  	v5 =	vld [tilespmem:s10+$0xFFFFFFE0]  }
0x1e5: {  	v2 =	vadd.f32 v8, v2;
	v7 =	vmul.f32 v7, v7;
	v8 =	vsub.f32 v9, v11;
	v9 =	vld [tilespmem:s9+$0x60]  }
0x1e6: {  	v11 =	vld [tilespmem:s10+$0x60]  }
0x1e7: {  	v6 =	vsub.f32 v12, v6;
	v12 =	vld [tilespmem:s9+$0xFFFFFF70];
	v13 =	vadd.f32 v7, v3;
	v3 =	vmul.f32 v8, v8  }
0x1e8: {  	v8 =	vld [tilespmem:s10+$0xFFFFFF70]  }
0x1e9: {  	v6 =	vmul.f32 v6, v6;
	v5 =	vsub.f32 v10, v5;
	v14 =	vld [tilespmem:s9+$0xFFFFFFF0];
	v15 =	vadd.f32 v3, v4  }
0x1ea: {  	v16 =	vld [tilespmem:s10+$0xFFFFFFF0]  }
0x1eb: {  	v4 =	vadd.f32 v6, v2;
	v5 =	vmul.f32 v5, v5;
	v6 =	vsub.f32 v9, v11;
	v2 =	vld [tilespmem:s9+$0x70]  }
.Ltmp7:
0x1ec: {  	s9 =	sadd.s32 $0x200, s9;
	v3 =	vld [tilespmem:s10+$0x70];
	(pc) =	sbr.rel @p0 .LBB2_13-.Ltmp7, $4  }
0x1ed: {  	s10 =	sadd.s32 $0x200, s10;
	v7 =	vld [tilespmem:s9+$0x80];
	v8 =	vsub.f32 v12, v8;
	v5 =	vadd.f32 v5, v13;
	v6 =	vmul.f32 v6, v6  }
0x1ee: {  	v10 =	vld [tilespmem:s10+$0x80]  }
0x1ef: {  	v11 =	vld [tilespmem:s9+$0x90];
	v8 =	vmul.f32 v8, v8;
	v9 =	vsub.f32 v14, v16;
	v6 =	vadd.f32 v6, v15  }
0x1f0: {  	s13 =	sadd.s32 $0x4, s13;
	v12 =	vld [tilespmem:s10+$0x90]  }
0x1f1: {  	v13 =	vld [tilespmem:s9+$0xA0]  }
0x1f2: {  	v14 =	vld [tilespmem:s10+$0xA0]  }
0x1f3: {  	v15 =	vld [tilespmem:s9+$0xB0]  }
0x1f4: {  	v16 =	vld [tilespmem:s10+$0xB0]  }
0x1f5: {  	v17 =	vld [tilespmem:s9+$0xC0]  }
0x1f6: {  	v18 =	vld [tilespmem:s10+$0xC0]  }
0x1f7: {  	v19 =	vld [tilespmem:s9+$0xD0]  }
0x1f8: {  	v20 =	vld [tilespmem:s10+$0xD0]  }
0x1f9: {  	v21 =	vld [tilespmem:s9+$0xE0]  }
0x1fa: {  	v22 =	vld [tilespmem:s10+$0xE0]  }
0x1fb: {  	v23 =	vld [tilespmem:s9+$0xF0]  }
0x1fc: {  	v24 =	vld [tilespmem:s10+$0xF0]  }
0x1fd: {  	v25 =	vld [tilespmem:s10+$0xFFFFFF00]  }
0x1fe: {  	v26 =	vld [tilespmem:s9+$0xFFFFFF10]  }
0x1ff: {  	v27 =	vld [tilespmem:s10+$0xFFFFFF10]  }
0x200: {  	v28 =	vld [tilespmem:s9+$0xFFFFFF80]  }
0x201: {  	v29 =	vld [tilespmem:s10+$0xFFFFFF80]  }
0x202: {  	v30 =	vld [tilespmem:s9+$0xFFFFFF90]  }
0x203: {  	v31 =	vld [tilespmem:s10+$0xFFFFFF90]  }
0x204: {  	v32 =	vld [tilespmem:s9+$0x0]  }
0x205: {  	v33 =	vld [tilespmem:s10+$0x0]  }
0x206: {  	v34 =	vld [tilespmem:s9+$0x10]  }
0x207: {  	v35 =	vld [tilespmem:s10+$0x10]  }
0x208: {  	v36 =	vld [tilespmem:s9+$0xFFFFFF00]  }
0x209: {  	v37 =	vld [tilespmem:s9+$0xFFFFFF20]  }
0x20a: {  	v38 =	vld [tilespmem:s10+$0xFFFFFF20]  }
0x20b: {  	v39 =	vld [tilespmem:s9+$0xFFFFFFA0]  }
0x20c: {  	v40 =	vld [tilespmem:s9+$0xFFFFFF30]  }
0x20d: {  	v41 =	vld [tilespmem:s10+$0xFFFFFFB0]  }
0x20e: {  	v2 =	vsub.f32 v2, v3;
	v3 =	vld [tilespmem:s9+$0x30]  }
0x20f: {  	v44 =	vld [tilespmem:s10+$0x30]  }
0x210: {  	v45 =	vld [tilespmem:s9+$0xFFFFFF40]  }
0x211: {  	v47 =	vld [tilespmem:s10+$0xFFFFFF40]  }
0x212: {  	v49 =	vld [tilespmem:s10+$0xFFFFFFC0]  }
0x213: {  	v9 =	vmul.f32 v9, v9;
	v51 =	vld [tilespmem:s9+$0x40]  }
0x214: {  	v4 =	vadd.f32 v8, v4;
	v54 =	vld [tilespmem:s10+$0x40];
	v7 =	vsub.f32 v7, v10;
	v2 =	vmul.f32 v2, v2  }
0x215: {  	v57 =	vld [tilespmem:s9+$0xFFFFFF50];
	v5 =	vadd.f32 v9, v5;
	v59 =	vsub.f32 v11, v12  }
0x216: {  	v58 =	vld [tilespmem:s10+$0xFFFFFF50];
	v2 =	vadd.f32 v2, v6;
	v13 =	vsub.f32 v13, v14  }
0x217: {  	v11 =	vld [tilespmem:s10+$0xFFFFFFA0];
	v61 =	vsub.f32 v15, v16;
	v63 =	vsub.f32 v17, v18  }
0x218: {  	v12 =	vld [tilespmem:s9+$0x20];
	v43 =	vsub.f32 v19, v20;
	v48 =	vsub.f32 v21, v22  }
0x219: {  	v6 =	vld [tilespmem:s9+$0xFFFFFFC0];
	v50 =	vsub.f32 v26, v27;
	v52 =	vsub.f32 v28, v29  }
0x21a: {  	v7 =	vmul.f32 v7, v7;
	v14 =	vld [tilespmem:s10+$0x20];
	v53 =	vsub.f32 v30, v31;
	v55 =	vsub.f32 v32, v33  }
0x21b: {  	v15 =	vld [tilespmem:s10+$0xFFFFFF30];
	v56 =	vsub.f32 v34, v35;
	v25 =	vsub.f32 v36, v25;
	v10 =	vmul.f32 v59, v59  }
0x21c: {  	v16 =	vld [tilespmem:s9+$0xFFFFFFB0];
	v3 =	vsub.f32 v3, v44;
	v60 =	vmul.f32 v13, v13;
	v62 =	vmul.f32 v61, v61  }
0x21d: {  	v33 =	vld [tilespmem:s9+$0x50];
	v44 =	vsub.f32 v51, v54;
	v42 =	vmul.f32 v63, v63;
	v46 =	vmul.f32 v43, v43  }
0x21e: {  	v35 =	vld [tilespmem:s10+$0x50];
	v13 =	vsub.f32 v23, v24;
	v22 =	vmul.f32 v52, v52;
	v23 =	vmul.f32 v53, v53  }
0x21f: {  	v61 =	vld [tilespmem:s9+$0xFFFFFFD0];
	v20 =	vmul.f32 v50, v50;
	v25 =	vmul.f32 v25, v25;
	v7 =	vadd.f32 v10, v7  }
0x220: {  	v9 =	vmul.f32 v48, v48;
	v63 =	vld [tilespmem:s10+$0xFFFFFFD0];
	v10 =	vsub.f32 v45, v47;
	v22 =	vadd.f32 v23, v22  }
0x221: {  	v59 =	vmul.f32 v55, v55;
	v45 =	vld [tilespmem:s9+$0xFFFFFF70];
	v20 =	vadd.f32 v20, v25;
	v11 =	vsub.f32 v39, v11  }
0x222: {  	v3 =	vmul.f32 v3, v3;
	v47 =	vld [tilespmem:s10+$0xFFFFFF70];
	v6 =	vsub.f32 v6, v49;
	v7 =	vadd.f32 v60, v7  }
0x223: {  	v39 =	vld [tilespmem:s9+$0xFFFFFFE0];
	v13 =	vmul.f32 v13, v13;
	v12 =	vsub.f32 v12, v14;
	v36 =	vsub.f32 v40, v15  }
0x224: {  	v16 =	vsub.f32 v16, v41;
	v40 =	vld [tilespmem:s10+$0xFFFFFFE0];
	v11 =	vmul.f32 v11, v11;
	v7 =	vadd.f32 v62, v7  }
0x225: {  	v50 =	vld [tilespmem:s10+$0xFFFFFFF0];
	v60 =	vmul.f32 v56, v56;
	v23 =	vsub.f32 v33, v35;
	v62 =	vsub.f32 v37, v38  }
0x226: {  	v49 =	vld [tilespmem:s9+$0xFFFFFFF0];
	v16 =	vmul.f32 v16, v16;
	v11 =	vadd.f32 v11, v22;
	v7 =	vadd.f32 v42, v7  }
0x227: {  	v37 =	vld [tilespmem:s9+$0xFFFFFF60];
	v48 =	vsub.f32 v61, v63;
	v56 =	vsub.f32 v45, v47;
	v34 =	vmul.f32 v62, v62  }
0x228: {  	v10 =	vmul.f32 v10, v10;
	v38 =	vld [tilespmem:s10+$0xFFFFFF60];
	v11 =	vadd.f32 v16, v11;
	v7 =	vadd.f32 v46, v7  }
0x229: {  	v43 =	vld [tilespmem:s10+$0x60];
	v14 =	vmul.f32 v36, v36;
	v55 =	vsub.f32 v39, v40;
	v20 =	vadd.f32 v34, v20  }
0x22a: {  	v12 =	vmul.f32 v12, v12;
	v42 =	vld [tilespmem:s9+$0x60];
	v7 =	vadd.f32 v9, v7;
	v9 =	vadd.f32 v60, v59  }
0x22b: {  	v54 =	vld [tilespmem:s10+$0x70];
	v6 =	vmul.f32 v6, v6;
	v46 =	vsub.f32 v57, v58;
	v41 =	vadd.f32 v14, v20  }
0x22c: {  	v52 =	vld [tilespmem:s9+$0x70];
	v53 =	vmul.f32 v23, v23;
	v57 =	vsub.f32 v49, v50;
	v9 =	vadd.f32 v12, v9  }
0x22d: {  	v51 =	vmul.f32 v48, v48;
	v15 =	vsub.f32 v37, v38;
	v10 =	vadd.f32 v10, v41  }
0x22e: {  	v12 =	vmul.f32 v46, v46;
	v3 =	vadd.f32 v3, v9;
	v9 =	vmul.f32 v44, v44  }
0x22f: {  	v58 =	vmul.f32 v56, v56;
	v6 =	vadd.f32 v6, v11;
	v8 =	vsub.f32 v42, v43  }
0x230: {  	v15 =	vmul.f32 v15, v15;
	v10 =	vadd.f32 v12, v10;
	v3 =	vadd.f32 v9, v3  }
0x231: {  	v11 =	vsub.f32 v52, v54;
	v6 =	vadd.f32 v51, v6;
	v9 =	vmul.f32 v55, v55  }
0x232: {  	(xrf2) =	vadd.scan.msk.f32 $0xffff, v4;
	v4 =	vmul.f32 v8, v8;
	v10 =	vadd.f32 v15, v10;
	v3 =	vadd.f32 v53, v3  }
0x233: {  	(xrf2) =	vadd.scan.msk.f32 $0xffff, v5;
	v5 =	vadd.f32 v13, v7;
	v7 =	vmul.f32 v57, v57;
	v6 =	vadd.f32 v9, v6  }
0x234: {  	(xrf2) =	vadd.scan.msk.f32 $0xffff, v2;
	v2 =	vadd.f32 v4, v3;
	v3 =	vadd.f32 v58, v10;
	v4 =	vmul.f32 v11, v11  }
0x235: {  	s30 =	sadd.s32 $0x1, s1;
	v59 =	vmov s1;
	(xrf2) =	vadd.scan.msk.f32 $0xffff, v5;
	v5 =	vadd.f32 v7, v6  }
0x236: {  	s10 =	sadd.s32 $0x2, s1;
	v6 =	vand.u32 $0xFFFFFFFC, v59;
	v7 =	vmov s30;
	(xrf2) =	vadd.scan.msk.f32 $0xffff, v3;
	v2 =	vadd.f32 v4, v2  }
0x237: {  	v3 =	vbroadcast v6, $0x0;
	v4 =	vand.u32 $0xFFFFFFFD, v7;
	v6 =	vmov s10;
	(xrf2) =	vadd.scan.msk.f32 $0xffff, v5  }
0x238: {  	v4 =	vbroadcast v4, $0x0;
	v5 =	vand.u32 $0xFFFFFFFE, v6;
	(xrf2) =	vadd.scan.msk.f32 $0xffff, v2  }
0x239: {  	s14 =	sadd.s32 $0x1, s5;
	s30 =	sadd.s32 $0x2, s5;
	v2 =	vbroadcast v5, $0x0;
	v5 =	vmov s5  }
0x23a: {  	s13 =	sadd.s32 $0x3, s5;
	v60 =	vmov s30;
	v7 =	vmov s14;
	v5 =	vand.u32 $0xFFFFFFFC, v5  }
0x23b: {  	v6 =	vmov s13;
	v7 =	vand.u32 $0xFFFFFFFD, v7;
	v5 =	vbroadcast v5, $0x0  }
0x23c: {  	v61, _, _ =	vpop (xrf2);
	v8 =	vand.u32 $0xFFFFFFFE, v60;
	v7 =	vbroadcast v7, $0x0  }
0x23d: {  	v62, _, _ =	vpop (xrf2);
	[tilespmem:v3+s26+$0x0] =	vst.idx.msk vm0, v61;
	v3 =	vbroadcast v8, $0x0  }
0x23e: {  	v63, _, _ =	vpop (xrf2);
	[tilespmem:v4+s26+$0x0] =	vst.idx.msk vm0, v62  }
0x23f: {  	v4, _, _ =	vpop (xrf2);
	[tilespmem:v2+s26+$0x0] =	vst.idx.msk vm0, v63  }
0x240: {  	[tilespmem:v6+s26+$0x0] =	vst.idx.msk vm0, v4;
	v2, _, _ =	vpop (xrf2)  }
0x241: {  	[tilespmem:v5+s26+$0x0] =	vst.idx.msk vm0, v2;
	v2, _, _ =	vpop (xrf2)  }
0x242: {  	[tilespmem:v7+s26+$0x0] =	vst.idx.msk vm0, v2;
	v2, _, _ =	vpop (xrf2)  }
0x243: {  	s1 =	simm.s32 $0x1A420;
	[tilespmem:v3+s26+$0x0] =	vst.idx.msk vm0, v2  }
0x244: {  	p2 =	por $0x1, $0x1;
	v5 =	vld [tilespmem:s1+$0xFFFFFFF0]  }
.Ltmp8:
0x245: {  	_ = 	snop;
	(pc) =	sbr.rel @!p2 .LBB2_15-.Ltmp8, $4  }
0x246: {  	_ = 	snop  }
0x247: {  	v2 =	vld [tilespmem:s1+$0x0]  }
0x248: {  	v3 =	vld [tilespmem:s1+$0xFFFFFFE0]  }
0x249: {  	p0 =	por $0x0, $0x0;
	p1 =	por $0x0, $0x0;
	s9 =	simm.s32 $0x1A460;
	v4 =	vld [tilespmem:s1+$0x10];
	v5 =	vmul.f32 v5, v1  }
0x24a: {  	_ =	sdelay $0x1  }
0x24b: {  	v2 =	vmul.f32 v2, v1  }
0x24c: {  	v5 =	vmul.f32 $1.442695020e+00, v5  }
0x24d: {  	v8 =	vmul.f32 $1.442695020e+00, v2  }
0x24e: {  	(erf) = vpow2.f32 v5  }
0x24f: {  	(erf) = vpow2.f32 v8  }
0x250: {  	v7 =	vld [tilespmem:s9+$0xFFFFFFF0];
	p2 =	por $0x1, $0x1  }
.Ltmp9:
0x251: {  	_ = 	snop;
	(pc) =	sbr.rel @!p2 .LBB2_17-.Ltmp9, $4  }
0x252: {  	v6 =	vmul.f32 v3, v1  }
0x253: {  	v3 =	vld [tilespmem:s9+$0xFFFFFFE0];
	v9 =	vmul.f32 v4, v1  }
0x254: {  	v2 =	vld [tilespmem:s9+$0x0];
	v6 =	vmul.f32 $1.442695020e+00, v6  }
0x255: {  	s5 =	simm.s32 $0x1A4A0;
	p0 =	por $0x1, $0x1;
	v4 =	vld [tilespmem:s9+$0x10];
	v5 =	vmul.f32 v7, v1;
	v7 =	vmul.f32 $1.442695020e+00, v9  }
0x256: {  	_ =	sdelay $0x2  }
0x257: {  	v2 =	vmul.f32 v2, v1  }
0x258: {  	v8 =	vld [tilespmem:s5+$0xFFFFFFF0];
	(erf) = vpow2.f32 v6;
	p2 =	por $0x0, $0x0;
	v5 =	vmul.f32 $1.442695020e+00, v5  }
.Ltmp10:
0x259: {  	(erf) = vpow2.f32 v7;
	v7 =	vmul.f32 $1.442695020e+00, v2;
	(pc) =	sbr.rel @!p2 .LBB2_19-.Ltmp10, $4  }
0x25a: {  	v6 =	vmul.f32 v3, v1;
	(erf) = vpow2.f32 v5;
	v2 =	vld [tilespmem:s5+$0x0]  }
0x25b: {  	v9 =	vmul.f32 v4, v1;
	(erf) = vpow2.f32 v7  }
0x25c: {  	v3 =	vld [tilespmem:s5+$0xFFFFFFE0];
	v6 =	vmul.f32 $1.442695020e+00, v6  }
0x25d: {  	s10 =	simm.s32 $0x8;
	s13 =	simm.s32 $0x1A4E0;
	p1 =	por $0x1, $0x1;
	v4 =	vld [tilespmem:s5+$0x10];
	v5 =	vmul.f32 v8, v1;
	v7 =	vmul.f32 $1.442695020e+00, v9  }
.LBB2_20:
0x25e: {  	s10 =	sadd.s32 $0x4, s10  }
0x25f: {  	v8 =	vld [tilespmem:s13+$0xFFFFFFF0];
	v9 =	vmul.f32 v2, v1;
	(erf) = vpow2.f32 v6;
	v6 =	vpop (erf);
	s14 =	smov.u32 s5;
	s5 =	smov.u32 s13;
	p2 =	slt.u32 s10, $0x8  }
.Ltmp11:
0x260: {  	v2 =	vld [tilespmem:s13+$0x0];
	v11 =	vmul.f32 $1.442695020e+00, v5;
	(erf) = vpow2.f32 v7;
	[tilespmem:s1+$0xFFFFFFF0] =	vst v6;
	v6 =	vpop (erf);
	(pc) =	sbr.rel @p2 .LBB2_20-.Ltmp11, $4  }
0x261: {  	v7 =	vmul.f32 v3, v1;
	v3 =	vld [tilespmem:s13+$0xFFFFFFE0];
	v12 =	vmul.f32 $1.442695020e+00, v9;
	[tilespmem:s1+$0x0] =	vst v6  }
0x262: {  	v10 =	vmul.f32 v4, v1;
	v4 =	vld [tilespmem:s13+$0x10];
	(erf) = vpow2.f32 v11;
	v5 =	vpop (erf)  }
0x263: {  	v6 =	vmul.f32 $1.442695020e+00, v7;
	(erf) = vpow2.f32 v12;
	[tilespmem:s1+$0xFFFFFFE0] =	vst v5;
	v9 =	vpop (erf)  }
0x264: {  	s13 =	sadd.s32 $0x40, s13;
	v7 =	vmul.f32 $1.442695020e+00, v10;
	v5 =	vmul.f32 v8, v1;
	[tilespmem:s1+$0x10] =	vst v9;
	s1 =	smov.u32 s9;
	s9 =	smov.u32 s14  }
0x265: {  	s10 =	smov.u32 s1;
	s1 =	smov.u32 s9  }
.LBB2_22:
0x266: {  	v2 =	vmul.f32 v2, v1  }
0x267: {  	(erf) = vpow2.f32 @p0 v6;
	v5 =	vmul.f32 $1.442695020e+00, v5  }
0x268: {  	v3 =	vmul.f32 v3, v1;
	(erf) = vpow2.f32 @p0 v7  }
0x269: {  	v4 =	vmul.f32 v4, v1;
	v2 =	vmul.f32 $1.442695020e+00, v2  }
0x26a: {  	(erf) = vpow2.f32 v5;
	v3 =	vmul.f32 $1.442695020e+00, v3  }
0x26b: {  	v5 =	vpop @p1 (erf);
	(erf) = vpow2.f32 v2;
	v2 =	vmul.f32 $1.442695020e+00, v4;
	_ =	sdelay $0x1  }
0x26c: {  	[tilespmem:s10+$0xFFFFFFF0] =	vst @p1 v5;
	v4 =	vpop @p1 (erf);
	(erf) = vpow2.f32 v3  }
0x26d: {  	[tilespmem:s10+$0x0] =	vst @p1 v4;
	v3 =	vpop @p1 (erf);
	(erf) = vpow2.f32 v2  }
0x26e: {  	[tilespmem:s10+$0xFFFFFFE0] =	vst @p1 v3;
	v2 =	vpop @p1 (erf)  }
0x26f: {  	s1 =	smov.u32 @p0 s1;
	v3 =	vpop @p0 (erf);
	[tilespmem:s10+$0x10] =	vst @p1 v2  }
0x270: {  	[tilespmem:s1+$0xFFFFFFF0] =	vst @p0 v3;
	v2 =	vpop @p0 (erf)  }
0x271: {  	[tilespmem:s1+$0x0] =	vst @p0 v2;
	v2 =	vpop @p0 (erf)  }
0x272: {  	[tilespmem:s1+$0xFFFFFFE0] =	vst @p0 v2;
	v2 =	vpop @p0 (erf)  }
0x273: {  	[tilespmem:s1+$0x10] =	vst @p0 v2;
	v2 =	vpop (erf)  }
0x274: {  	[tilespmem:s5+$0xFFFFFFF0] =	vst v2;
	v2 =	vpop (erf)  }
0x275: {  	[tilespmem:s5+$0x0] =	vst v2;
	v2 =	vpop (erf)  }
0x276: {  	[tilespmem:s5+$0xFFFFFFE0] =	vst v2;
	v2 =	vpop (erf)  }
0x277: {  	[tilespmem:s5+$0x10] =	vst v2  }
0x278: {  	v2 =	vld [tilespmem:$0x1A4C0];
	_ =	sdelay $0x4  }
0x279: {  	v2 =	vmul.f32 v2, v1;
	_ =	sdelay $0x1  }
0x27a: {  	v2 =	vmul.f32 $1.442695020e+00, v2;
	_ =	sdelay $0x1  }
0x27b: {  	(erf) = vpow2.f32 v2;
	_ =	sdelay $0x8  }
0x27c: {  	s31 =	sadd.s32 $0x1, s31;
	v2 =	vpop (erf)  }
0x27d: {  	s30 =	sadd.s32 s6, s4;
	p0 =	sne.s32 s31, $0x19;
	[tilespmem:$0x1A4C0] =	vst v2  }
0x27e: {  	[hbm4b:s30+s7] =	stream.linear.scatter [tilespmem:s26], [sflag:$0x5], $0xC8, $0x38;
	[tilespmem:$0x1A580] =	vst v63  }
.Ltmp12:
0x27f: {  	_ = 	snop;
	(pc) =	sbr.rel @p0 .LBB2_2-.Ltmp12, $4  }
.Ltmp13:
0x280: {  	_ = 	snop;
	(pc) =	sbr.rel @!p0 .LBB2_23-.Ltmp13, $4  }
0x281: {  	_ =	swait.ge [sflag:s15], $0xC8  }
0x282: {  	[sflag:s15] =	ssyncset.done $0x0  }
0x283: {  	[sflag:s15] =	ssyncadd.s32 $0xFFFFFF38  }
0x284: {  	_ = 	snop  }
.LBB2_5:
.Ltmp14:
0x285: {  	(pc) =	sbr.rel .LBB2_12-.Ltmp14, $2  }
0x286: {  	_ =	sdelay $0x2  }
0x287: {  	s9 =	simm.s32 $0x1A420  }
.LBB2_15:
.Ltmp15:
0x288: {  	(pc) =	sbr.rel .LBB2_22-.Ltmp15, $2  }
0x289: {  	_ =	sdelay $0x2  }
0x28a: {  	s5 =	simm.s32 $0x1A420  }
.LBB2_7:
.Ltmp16:
0x28b: {  	(pc) =	sbr.rel .LBB2_12-.Ltmp16, $2  }
0x28c: {  	_ =	sdelay $0x2  }
0x28d: {  	s9 =	simm.s32 $0x1A460  }
.LBB2_17:
.Ltmp17:
0x28e: {  	(pc) =	sbr.rel .LBB2_22-.Ltmp17, $2  }
0x28f: {  	_ =	sdelay $0x2  }
0x290: {  	s5 =	simm.s32 $0x1A460  }
.LBB2_9:
.Ltmp18:
0x291: {  	(pc) =	sbr.rel .LBB2_12-.Ltmp18, $2  }
0x292: {  	_ =	sdelay $0x2  }
0x293: {  	s13 =	simm.s32 $0x1A420;
	s5 =	simm.s32 $0x1A460  }
.LBB2_19:
.Ltmp19:
0x294: {  	(pc) =	sbr.rel .LBB2_22-.Ltmp19, $2  }
0x295: {  	_ =	sdelay $0x2  }
0x296: {  	s10 =	simm.s32 $0x1A420;
	s1 =	simm.s32 $0x1A460  }
.LBB2_24:
0x297: {  	_ =	sfence.sel $0x180000  }
0x298: {  	[bflag:$0x0] =	sbarrier.arrive $0xFFFF  }
0x299: {  	_ =	strace $0x90000047  }
0x29a: {  	s0 =	stileid.u32;
	[bflag:$0x2] =	sbarrier.arrive $0xFFFF  }
0x29b: {  	p0 =	sne.s32 s0, $0x0;
	s0 =	rddreg [dreg:$0x5]  }
0x29c: {  	s0 =	sadd.s32 @!p0 $0x100000, s0  }
0x29d: {  	[sflag:s0] =	ssyncadd.tile.s32 @!p0 $0x1;
	_ =	shalt  }
.Lfunc_end2:
_tile_overlayer_lowered:
.L_overlay_start_2:
0x29e: {  	(tag) =	ssettag $0x2  }
0x29f: {  	s0 =	rddreg [dreg:$0x0];
	s2 =	stileid.u32  }
0x2a0: {  	s1 =	rddreg [dreg:$0x1];
	p0 =	sne.s32 s2, $0x0  }
0x2a1: {  	s3 =	rddreg [dreg:$0x2];
	[bflag:$0x3] =	sbarrier.arrive $0xFFFF;
	s2 =	simm.s32 @!p0 $0x1C05  }
0x2a2: {  	[timem:s3], [sflag:s2] =	dma.local @!p0 [hbm:s0], s1  }
0x2a3: {  	s0 =	simm.s32 @!p0 $0x5  }
0x2a4: {  	_ =	swait.ge @!p0 [sflag:s0], s1  }
0x2a5: {  	s1 =	ssub.s32 @!p0 $0x0, s1;
	[sflag:s0] =	ssyncset.done @!p0 $0x0  }
0x2a6: {  	[sflag:s0] =	ssyncadd.s32 @!p0 s1  }
0x2a7: {  	[bflag:$0x3] =	sbarrier.arrive $0xFFFF  }
0x2a8: {  	_ =	shalt  }

</sc_bundles>
